<compile_context>
chip_gen: v7x
topology: tpu7x:2x2x1
jax: 0.10.2.dev20260603
libtpu: 0.0.44.dev20260713+nightly
codegen_flags: <defaults>
</compile_context>

<pallas_src>
import jax
import jax.numpy as jnp
from jax import lax
from jax.experimental import pallas as pl
from jax.experimental.pallas import tpu as pltpu
from jax.experimental.pallas import tpu_sc as plsc


_S = 512
_K = 64
_ROWS_PER_SLICE = 32
_N_ROWS = 160
_ROW_ELEMS = _S * _S
_N_WORKERS = 32
_ROWS_PER_W = _N_ROWS // _N_WORKERS
_LANES = 16


def _sc_gather_body(preds_hbm, xs_hbm, ys_hbm, out_hbm,
                    xs_v, ys_v, idx_v, g_v, buf0, buf1, sem):
    wid = lax.axis_index("s") * 2 + lax.axis_index("c")

    pltpu.sync_copy(xs_hbm.at[wid], xs_v)
    pltpu.sync_copy(ys_hbm.at[wid], ys_v)

    row0 = wid * _ROWS_PER_W
    for r in range(_ROWS_PER_W):
        for c in range(_K // _LANES):
            o = r * _K + c * _LANES
            xv = xs_v[0, pl.ds(o, _LANES)]
            fv = xv + (row0 + r) * _S
            idx_v[r, pl.ds(c * _LANES, _LANES)] = fv

    bufs = (buf0, buf1)

    def start(r):
        return pltpu.async_copy(preds_hbm.at[idx_v.at[r]], bufs[r % 2], sem)

    def extract(r, cp):
        cp.wait()
        buf = bufs[r % 2]
        for c in range(_K // _LANES):
            rows = jax.lax.iota(jnp.int32, _LANES) + c * _LANES
            cols = ys_v[0, pl.ds(r * _K + c * _LANES, _LANES)]
            g_v[r, pl.ds(c * _LANES, _LANES)] = plsc.load_gather(
                buf, [rows, cols])

    cps = [None] * _ROWS_PER_W
    cps[0] = start(0)
    cps[1] = start(1)
    for r in range(_ROWS_PER_W):
        extract(r, cps[r])
        if r + 2 < _ROWS_PER_W:
            cps[r + 2] = start(r + 2)

    pltpu.sync_copy(g_v, out_hbm.at[wid])


def _sc_gather(preds_rows, xs_flat, ys_flat):
    mesh = plsc.VectorSubcoreMesh(core_axis_name="c", subcore_axis_name="s")
    return pl.kernel(
        _sc_gather_body,
        mesh=mesh,
        compiler_params=pltpu.CompilerParams(needs_layout_passes=False),
        out_type=jax.ShapeDtypeStruct((_N_WORKERS, _ROWS_PER_W, _K),
                                      jnp.float32),
        scratch_types=[
            pltpu.VMEM((1, _ROWS_PER_W * _K), jnp.int32),
            pltpu.VMEM((1, _ROWS_PER_W * _K), jnp.int32),
            pltpu.VMEM((_ROWS_PER_W, _K), jnp.int32),
            pltpu.VMEM((_ROWS_PER_W, _K), jnp.float32),
            pltpu.VMEM((_K, _S), jnp.float32),
            pltpu.VMEM((_K, _S), jnp.float32),
            pltpu.SemaphoreType.DMA,
        ],
    )(preds_rows, xs_flat, ys_flat)


_R = 8


def _row_loss_kernel(pa_ref, pb_ref, g_ref, xr_ref, yr_ref, xc_ref, yc_ref,
                     out_ref):
    i = pl.program_id(0)

    @pl.when(i % (_ROWS_PER_SLICE // _R) == 0)
    def _init():
        out_ref[...] = jnp.zeros_like(out_ref)

    g = g_ref[...]
    x_r = xr_ref[...]
    y_r = yr_ref[...]
    x_c = xc_ref[...]
    y_c = yc_ref[...]

    flat_r = x_r * _S + y_r
    flat_c = x_c * _S + y_c
    eq = flat_c == flat_r
    ii = jax.lax.broadcasted_iota(jnp.int32, (_R, _K, _K), 1)
    jj = jax.lax.broadcasted_iota(jnp.int32, (_R, _K, _K), 2)
    dup = jnp.any(eq & (ii < jj), axis=1, keepdims=True)
    active = (x_r > 0) & (y_r > 0) & jnp.logical_not(dup)

    eg = jnp.exp(g)
    s_true_p = jnp.sum(jnp.where(active, eg, 0.0), axis=(1, 2))
    s_true_n = jnp.sum(jnp.where(active, 1.0 / eg, 0.0), axis=(1, 2))

    s_all = (jnp.sum(jnp.exp(pa_ref[...]), axis=(1, 2))
             + jnp.sum(jnp.exp(pb_ref[...]), axis=(1, 2)))

    neg = jnp.log(1.0 + jnp.maximum(s_all - s_true_p, 0.0))
    pos = jnp.log(1.0 + s_true_n)
    loss = jnp.sum(neg + pos) * (1.0 / _ROWS_PER_SLICE)

    out_ref[...] += jnp.full((1, 1, 128), loss, jnp.float32)


@jax.jit
def kernel(y_preds, y_trues):
    p = y_preds.reshape(_N_ROWS, _S, _S)
    yt = y_trues.astype(jnp.int32).reshape(_N_ROWS, _K, 2)
    xs = yt[:, :, 0]
    ys = yt[:, :, 1]

    gathered = _sc_gather(
        y_preds.reshape(_N_ROWS * _S, _S),
        xs.reshape(_N_WORKERS, 1, _ROWS_PER_W * _K),
        ys.reshape(_N_WORKERS, 1, _ROWS_PER_W * _K))

    x_r = xs.reshape(_N_ROWS, 1, _K)
    y_r = ys.reshape(_N_ROWS, 1, _K)
    x_c = xs.reshape(_N_ROWS, _K, 1)
    y_c = ys.reshape(_N_ROWS, _K, 1)
    g = gathered.reshape(_N_ROWS, 1, _K)

    out = pl.pallas_call(
        _row_loss_kernel,
        grid=(_N_ROWS // _R,),
        in_specs=[
            pl.BlockSpec((_R, _S // 2, _S), lambda i: (i, 0, 0)),
            pl.BlockSpec((_R, _S // 2, _S), lambda i: (i, 1, 0)),
            pl.BlockSpec((_R, 1, _K), lambda i: (i, 0, 0)),
            pl.BlockSpec((_R, 1, _K), lambda i: (i, 0, 0)),
            pl.BlockSpec((_R, 1, _K), lambda i: (i, 0, 0)),
            pl.BlockSpec((_R, _K, 1), lambda i: (i, 0, 0)),
            pl.BlockSpec((_R, _K, 1), lambda i: (i, 0, 0)),
        ],
        out_specs=pl.BlockSpec((1, 1, 128),
                               lambda i: (i // (_ROWS_PER_SLICE // _R), 0, 0)),
        out_shape=jax.ShapeDtypeStruct((_N_ROWS // _ROWS_PER_SLICE, 1, 128),
                                       jnp.float32),
    )(p, p, g, x_r, y_r, x_c, y_c)

    losses = out[:, 0, 0]
    loss = jnp.mean(losses)
    return (loss, losses[0], losses[1], losses[2], losses[3], losses[4])

# --- scband reference (transcript-rebuilt; emitter-appended) ---
"""Pipeline reference for scband-my-loss-1829656068787 (READ-ONLY COPY).

The authoritative reference and input builder live on the scoring server;
editing this copy changes nothing except your own understanding.
"""

import jax, jax.numpy as jnp
import numpy as np

BIG = 1000000000000.0

def _mcce(y_pred, y_true):
    y_pred = (1 - 2 * y_true) * y_pred
    y_pred_pos = y_pred - (1 - y_true) * BIG
    y_pred_neg = y_pred - y_true * BIG
    zeros = jnp.zeros_like(y_pred_pos[..., :1])
    y_pred_pos = jnp.concatenate([y_pred_pos, zeros], axis=-1)
    y_pred_neg = jnp.concatenate([y_pred_neg, zeros], axis=-1)
    pos_loss = jax.scipy.special.logsumexp(y_pred_pos, axis=-1)
    neg_loss = jax.scipy.special.logsumexp(y_pred_neg, axis=-1)
    return (pos_loss + neg_loss).mean()

def _build_true(y_true_idx, S):
    # replicates the python triple-loop: new_true[i,j,x,y]=1 if x>0 and y>0
    B, H, K, _ = y_true_idx.shape
    x = y_true_idx[..., 0]
    y = y_true_idx[..., 1]
    mask = (x > 0) & (y > 0)
    xs = jnp.where(mask, x, 0)
    ys = jnp.where(mask, y, 0)
    b = jnp.broadcast_to(jnp.arange(B)[:, None, None], (B, H, K))
    h = jnp.broadcast_to(jnp.arange(H)[None, :, None], (B, H, K))
    new_true = jnp.zeros((B, H, S, S), dtype=jnp.float32)
    new_true = new_true.at[b, h, xs, ys].max(mask.astype(jnp.float32))
    return new_true

def setup_inputs(seed: int = 0):
    key = jax.random.key(seed)
    k1, k2 = jax.random.split(key)
    y_preds = jax.random.normal(k1, (5, 8, 4, 512, 512), dtype=jnp.float32)
    y_trues = jax.random.randint(k2, (5, 8, 4, 64, 2), 0, 512)
    return {"y_preds": y_preds, "y_trues": y_trues}

def reference(y_preds, y_trues):
    S = y_preds.shape[-1]
    losses = []
    for i in range(5):
        yp = y_preds[i]
        yt = y_trues[i]
        new_true = _build_true(yt, S)
        B, H = new_true.shape[0], new_true.shape[1]
        yt2 = new_true.reshape(B * H, -1)
        yp2 = yp.reshape(B * H, -1)
        losses.append(_mcce(yp2, yt2))
    loss = (losses[0] + losses[1] + losses[2] + losses[3] + losses[4]) / 5
    return (loss, losses[0], losses[1], losses[2], losses[3], losses[4])

if __name__ == "__main__":
    import jax
    _d = setup_inputs()
    print(jax.jit(kernel)(*tuple(_d.values())))

</pallas_src>

<mosaic_0001>
#map = affine_map<(d0, d1) -> (0, 0)>
#map1 = affine_map<(d0, d1) -> (0, 0, 0)>
module attributes {stable_mosaic.version = 14 : i64} {
  func.func @_sc_gather_body(%arg0: i32, %arg1: i32, %arg2: memref<81920x512xf32, #tpu.memory_space<hbm>>, %arg3: memref<32x1x320xi32, #tpu.memory_space<hbm>>, %arg4: memref<32x1x320xi32, #tpu.memory_space<hbm>>, %arg5: memref<32x5x64xf32, #tpu.memory_space<hbm>>, %arg6: memref<1x320xi32, #tpu.memory_space<vmem>>, %arg7: memref<1x320xi32, #tpu.memory_space<vmem>>, %arg8: memref<5x64xi32, #tpu.memory_space<vmem>>, %arg9: memref<5x64xf32, #tpu.memory_space<vmem>>, %arg10: memref<64x512xf32, #tpu.memory_space<vmem>>, %arg11: memref<64x512xf32, #tpu.memory_space<vmem>>, %arg12: memref<!tpu.dma_semaphore, #tpu.memory_space<semaphore_mem>>) attributes {dimension_semantics = [#tpu.dimension_semantics<core_parallel>, #tpu.dimension_semantics<subcore_parallel>], iteration_bounds = array<i64: 2, 16>, scalar_prefetch = 0 : i64, scratch_operands = 7 : i64, tpu.core_type = #tpu.core_type<sc_vector_subcore>, window_params = [{transform_indices = #map}, {transform_indices = #map1}, {transform_indices = #map1}, {transform_indices = #map1}]} {
    %mul3A = arith.constant 2 : i32
    %mul3A_0 = arith.muli %arg1, %mul3A : i32
    %add3A = arith.addi %mul3A_0, %arg0 : i32
    "tpu.region"() ({
      %run_scoped3A = tpu.sem_alloc : memref<!tpu.dma_semaphore, #tpu.memory_space<semaphore_mem>>
      %dma_start3A_607 = arith.constant 0 : i32
      %dma_start3A_608 = arith.constant 0 : i32
      %dma_start3A_609 = tpu.memref_slice %arg3[%add3A, %dma_start3A_607, %dma_start3A_608] : memref<32x1x320xi32, #tpu.memory_space<hbm>> -> memref<1x1x320xi32, #tpu.memory_space<hbm>>
      %dma_start3A_610 = tpu.memref_squeeze %dma_start3A_609 : memref<1x1x320xi32, #tpu.memory_space<hbm>> -> memref<1x320xi32, #tpu.memory_space<hbm>>
      %dma_start3A_611 = arith.constant 0 : i32
      %dma_start3A_612 = arith.constant 0 : i32
      %dma_start3A_613 = tpu.memref_slice %arg3[%add3A, %dma_start3A_611, %dma_start3A_612] : memref<32x1x320xi32, #tpu.memory_space<hbm>> -> memref<1x1x320xi32, #tpu.memory_space<hbm>>
      %dma_start3A_614 = tpu.memref_squeeze %dma_start3A_613 : memref<1x1x320xi32, #tpu.memory_space<hbm>> -> memref<1x320xi32, #tpu.memory_space<hbm>>
      tpu.enqueue_dma source(%dma_start3A_614 : memref<1x320xi32, #tpu.memory_space<hbm>>) target(%arg6 : memref<1x320xi32, #tpu.memory_space<vmem>>) target_semaphore(%run_scoped3A : memref<!tpu.dma_semaphore, #tpu.memory_space<semaphore_mem>>)
      %dma_wait3A_615 = arith.constant 0 : i32
      %dma_wait3A_616 = arith.constant 0 : i32
      %dma_wait3A_617 = tpu.memref_slice %arg3[%add3A, %dma_wait3A_615, %dma_wait3A_616] : memref<32x1x320xi32, #tpu.memory_space<hbm>> -> memref<1x1x320xi32, #tpu.memory_space<hbm>>
      %dma_wait3A_618 = tpu.memref_squeeze %dma_wait3A_617 : memref<1x1x320xi32, #tpu.memory_space<hbm>> -> memref<1x320xi32, #tpu.memory_space<hbm>>
      %dma_wait3A_619 = arith.constant 0 : i32
      %dma_wait3A_620 = arith.constant 0 : i32
      %dma_wait3A_621 = tpu.memref_slice %arg3[%add3A, %dma_wait3A_619, %dma_wait3A_620] : memref<32x1x320xi32, #tpu.memory_space<hbm>> -> memref<1x1x320xi32, #tpu.memory_space<hbm>>
      %dma_wait3A_622 = tpu.memref_squeeze %dma_wait3A_621 : memref<1x1x320xi32, #tpu.memory_space<hbm>> -> memref<1x320xi32, #tpu.memory_space<hbm>>
      tpu.wait_dma2 semaphore(%run_scoped3A : memref<!tpu.dma_semaphore, #tpu.memory_space<semaphore_mem>>) src(%dma_wait3A_622 : memref<1x320xi32, #tpu.memory_space<hbm>>) dst(%arg6 : memref<1x320xi32, #tpu.memory_space<vmem>>)
      tpu.yield
    }) : () -> ()
    "tpu.region"() ({
      %run_scoped3A = tpu.sem_alloc : memref<!tpu.dma_semaphore, #tpu.memory_space<semaphore_mem>>
      %dma_start3A_607 = arith.constant 0 : i32
      %dma_start3A_608 = arith.constant 0 : i32
      %dma_start3A_609 = tpu.memref_slice %arg4[%add3A, %dma_start3A_607, %dma_start3A_608] : memref<32x1x320xi32, #tpu.memory_space<hbm>> -> memref<1x1x320xi32, #tpu.memory_space<hbm>>
      %dma_start3A_610 = tpu.memref_squeeze %dma_start3A_609 : memref<1x1x320xi32, #tpu.memory_space<hbm>> -> memref<1x320xi32, #tpu.memory_space<hbm>>
      %dma_start3A_611 = arith.constant 0 : i32
      %dma_start3A_612 = arith.constant 0 : i32
      %dma_start3A_613 = tpu.memref_slice %arg4[%add3A, %dma_start3A_611, %dma_start3A_612] : memref<32x1x320xi32, #tpu.memory_space<hbm>> -> memref<1x1x320xi32, #tpu.memory_space<hbm>>
      %dma_start3A_614 = tpu.memref_squeeze %dma_start3A_613 : memref<1x1x320xi32, #tpu.memory_space<hbm>> -> memref<1x320xi32, #tpu.memory_space<hbm>>
      tpu.enqueue_dma source(%dma_start3A_614 : memref<1x320xi32, #tpu.memory_space<hbm>>) target(%arg7 : memref<1x320xi32, #tpu.memory_space<vmem>>) target_semaphore(%run_scoped3A : memref<!tpu.dma_semaphore, #tpu.memory_space<semaphore_mem>>)
      %dma_wait3A_615 = arith.constant 0 : i32
      %dma_wait3A_616 = arith.constant 0 : i32
      %dma_wait3A_617 = tpu.memref_slice %arg4[%add3A, %dma_wait3A_615, %dma_wait3A_616] : memref<32x1x320xi32, #tpu.memory_space<hbm>> -> memref<1x1x320xi32, #tpu.memory_space<hbm>>
      %dma_wait3A_618 = tpu.memref_squeeze %dma_wait3A_617 : memref<1x1x320xi32, #tpu.memory_space<hbm>> -> memref<1x320xi32, #tpu.memory_space<hbm>>
      %dma_wait3A_619 = arith.constant 0 : i32
      %dma_wait3A_620 = arith.constant 0 : i32
      %dma_wait3A_621 = tpu.memref_slice %arg4[%add3A, %dma_wait3A_619, %dma_wait3A_620] : memref<32x1x320xi32, #tpu.memory_space<hbm>> -> memref<1x1x320xi32, #tpu.memory_space<hbm>>
      %dma_wait3A_622 = tpu.memref_squeeze %dma_wait3A_621 : memref<1x1x320xi32, #tpu.memory_space<hbm>> -> memref<1x320xi32, #tpu.memory_space<hbm>>
      tpu.wait_dma2 semaphore(%run_scoped3A : memref<!tpu.dma_semaphore, #tpu.memory_space<semaphore_mem>>) src(%dma_wait3A_622 : memref<1x320xi32, #tpu.memory_space<hbm>>) dst(%arg7 : memref<1x320xi32, #tpu.memory_space<vmem>>)
      tpu.yield
    }) : () -> ()
    %mul3A_1 = arith.constant 5 : i32
    %mul3A_2 = arith.muli %add3A, %mul3A_1 : i32
    %get3A = arith.constant 0 : i32
    %get3A_3 = arith.index_cast %get3A : i32 to index
    %get3A_4 = arith.constant 0 : index
    %get3A_5 = tpu.vector_load %arg6[%get3A_3, %get3A_4] {strides = array<i32>} : memref<1x320xi32, #tpu.memory_space<vmem>>, vector<16xi32>,
    %add3A_6 = arith.constant 0 : i32
    %add3A_7 = arith.addi %mul3A_2, %add3A_6 : i32
    %mul3A_8 = arith.constant 512 : i32
    %mul3A_9 = arith.muli %add3A_7, %mul3A_8 : i32
    %add3A_10 = vector.broadcast %mul3A_9 : i32 to vector<16xi32>
    %add3A_11 = arith.addi %get3A_5, %add3A_10 : vector<16xi32>
    %swap3A = arith.constant 0 : i32
    %swap3A_12 = arith.index_cast %swap3A : i32 to index
    %swap3A_13 = arith.constant 0 : index
    %swap3A_14 = tpu.vector_load %arg8[%swap3A_12, %swap3A_13] {strides = array<i32>} : memref<5x64xi32, #tpu.memory_space<vmem>>, vector<16xi32>,
    tpu.vector_store %arg8[%swap3A_12, %swap3A_13], %add3A_11 {strides = array<i32>} : memref<5x64xi32, #tpu.memory_space<vmem>>, vector<16xi32>,
    %get3A_15 = arith.constant 0 : i32
    %get3A_16 = arith.index_cast %get3A_15 : i32 to index
    %get3A_17 = arith.constant 16 : index
    %get3A_18 = tpu.vector_load %arg6[%get3A_16, %get3A_17] {strides = array<i32>} : memref<1x320xi32, #tpu.memory_space<vmem>>, vector<16xi32>,
    %add3A_19 = arith.constant 0 : i32
    %add3A_20 = arith.addi %mul3A_2, %add3A_19 : i32
    %mul3A_21 = arith.constant 512 : i32
    %mul3A_22 = arith.muli %add3A_20, %mul3A_21 : i32
    %add3A_23 = vector.broadcast %mul3A_22 : i32 to vector<16xi32>
    %add3A_24 = arith.addi %get3A_18, %add3A_23 : vector<16xi32>
    %swap3A_25 = arith.constant 0 : i32
    %swap3A_26 = arith.index_cast %swap3A_25 : i32 to index
    %swap3A_27 = arith.constant 16 : index
    %swap3A_28 = tpu.vector_load %arg8[%swap3A_26, %swap3A_27] {strides = array<i32>} : memref<5x64xi32, #tpu.memory_space<vmem>>, vector<16xi32>,
    tpu.vector_store %arg8[%swap3A_26, %swap3A_27], %add3A_24 {strides = array<i32>} : memref<5x64xi32, #tpu.memory_space<vmem>>, vector<16xi32>,
    %get3A_29 = arith.constant 0 : i32
    %get3A_30 = arith.index_cast %get3A_29 : i32 to index
    %get3A_31 = arith.constant 32 : index
    %get3A_32 = tpu.vector_load %arg6[%get3A_30, %get3A_31] {strides = array<i32>} : memref<1x320xi32, #tpu.memory_space<vmem>>, vector<16xi32>,
    %add3A_33 = arith.constant 0 : i32
    %add3A_34 = arith.addi %mul3A_2, %add3A_33 : i32
    %mul3A_35 = arith.constant 512 : i32
    %mul3A_36 = arith.muli %add3A_34, %mul3A_35 : i32
    %add3A_37 = vector.broadcast %mul3A_36 : i32 to vector<16xi32>
    %add3A_38 = arith.addi %get3A_32, %add3A_37 : vector<16xi32>
    %swap3A_39 = arith.constant 0 : i32
    %swap3A_40 = arith.index_cast %swap3A_39 : i32 to index
    %swap3A_41 = arith.constant 32 : index
    %swap3A_42 = tpu.vector_load %arg8[%swap3A_40, %swap3A_41] {strides = array<i32>} : memref<5x64xi32, #tpu.memory_space<vmem>>, vector<16xi32>,
    tpu.vector_store %arg8[%swap3A_40, %swap3A_41], %add3A_38 {strides = array<i32>} : memref<5x64xi32, #tpu.memory_space<vmem>>, vector<16xi32>,
    %get3A_43 = arith.constant 0 : i32
    %get3A_44 = arith.index_cast %get3A_43 : i32 to index
    %get3A_45 = arith.constant 48 : index
    %get3A_46 = tpu.vector_load %arg6[%get3A_44, %get3A_45] {strides = array<i32>} : memref<1x320xi32, #tpu.memory_space<vmem>>, vector<16xi32>,
    %add3A_47 = arith.constant 0 : i32
    %add3A_48 = arith.addi %mul3A_2, %add3A_47 : i32
    %mul3A_49 = arith.constant 512 : i32
    %mul3A_50 = arith.muli %add3A_48, %mul3A_49 : i32
    %add3A_51 = vector.broadcast %mul3A_50 : i32 to vector<16xi32>
    %add3A_52 = arith.addi %get3A_46, %add3A_51 : vector<16xi32>
    %swap3A_53 = arith.constant 0 : i32
    %swap3A_54 = arith.index_cast %swap3A_53 : i32 to index
    %swap3A_55 = arith.constant 48 : index
    %swap3A_56 = tpu.vector_load %arg8[%swap3A_54, %swap3A_55] {strides = array<i32>} : memref<5x64xi32, #tpu.memory_space<vmem>>, vector<16xi32>,
    tpu.vector_store %arg8[%swap3A_54, %swap3A_55], %add3A_52 {strides = array<i32>} : memref<5x64xi32, #tpu.memory_space<vmem>>, vector<16xi32>,
    %get3A_57 = arith.constant 0 : i32
    %get3A_58 = arith.index_cast %get3A_57 : i32 to index
    %get3A_59 = arith.constant 64 : index
    %get3A_60 = tpu.vector_load %arg6[%get3A_58, %get3A_59] {strides = array<i32>} : memref<1x320xi32, #tpu.memory_space<vmem>>, vector<16xi32>,
    %add3A_61 = arith.constant 1 : i32
    %add3A_62 = arith.addi %mul3A_2, %add3A_61 : i32
    %mul3A_63 = arith.constant 512 : i32
    %mul3A_64 = arith.muli %add3A_62, %mul3A_63 : i32
    %add3A_65 = vector.broadcast %mul3A_64 : i32 to vector<16xi32>
    %add3A_66 = arith.addi %get3A_60, %add3A_65 : vector<16xi32>
    %swap3A_67 = arith.constant 1 : i32
    %swap3A_68 = arith.index_cast %swap3A_67 : i32 to index
    %swap3A_69 = arith.constant 0 : index
    %swap3A_70 = tpu.vector_load %arg8[%swap3A_68, %swap3A_69] {strides = array<i32>} : memref<5x64xi32, #tpu.memory_space<vmem>>, vector<16xi32>,
    tpu.vector_store %arg8[%swap3A_68, %swap3A_69], %add3A_66 {strides = array<i32>} : memref<5x64xi32, #tpu.memory_space<vmem>>, vector<16xi32>,
    %get3A_71 = arith.constant 0 : i32
    %get3A_72 = arith.index_cast %get3A_71 : i32 to index
    %get3A_73 = arith.constant 80 : index
    %get3A_74 = tpu.vector_load %arg6[%get3A_72, %get3A_73] {strides = array<i32>} : memref<1x320xi32, #tpu.memory_space<vmem>>, vector<16xi32>,
    %add3A_75 = arith.constant 1 : i32
    %add3A_76 = arith.addi %mul3A_2, %add3A_75 : i32
    %mul3A_77 = arith.constant 512 : i32
    %mul3A_78 = arith.muli %add3A_76, %mul3A_77 : i32
    %add3A_79 = vector.broadcast %mul3A_78 : i32 to vector<16xi32>
    %add3A_80 = arith.addi %get3A_74, %add3A_79 : vector<16xi32>
    %swap3A_81 = arith.constant 1 : i32
    %swap3A_82 = arith.index_cast %swap3A_81 : i32 to index
    %swap3A_83 = arith.constant 16 : index
    %swap3A_84 = tpu.vector_load %arg8[%swap3A_82, %swap3A_83] {strides = array<i32>} : memref<5x64xi32, #tpu.memory_space<vmem>>, vector<16xi32>,
    tpu.vector_store %arg8[%swap3A_82, %swap3A_83], %add3A_80 {strides = array<i32>} : memref<5x64xi32, #tpu.memory_space<vmem>>, vector<16xi32>,
    %get3A_85 = arith.constant 0 : i32
    %get3A_86 = arith.index_cast %get3A_85 : i32 to index
    %get3A_87 = arith.constant 96 : index
    %get3A_88 = tpu.vector_load %arg6[%get3A_86, %get3A_87] {strides = array<i32>} : memref<1x320xi32, #tpu.memory_space<vmem>>, vector<16xi32>,
    %add3A_89 = arith.constant 1 : i32
    %add3A_90 = arith.addi %mul3A_2, %add3A_89 : i32
    %mul3A_91 = arith.constant 512 : i32
    %mul3A_92 = arith.muli %add3A_90, %mul3A_91 : i32
    %add3A_93 = vector.broadcast %mul3A_92 : i32 to vector<16xi32>
    %add3A_94 = arith.addi %get3A_88, %add3A_93 : vector<16xi32>
    %swap3A_95 = arith.constant 1 : i32
    %swap3A_96 = arith.index_cast %swap3A_95 : i32 to index
    %swap3A_97 = arith.constant 32 : index
    %swap3A_98 = tpu.vector_load %arg8[%swap3A_96, %swap3A_97] {strides = array<i32>} : memref<5x64xi32, #tpu.memory_space<vmem>>, vector<16xi32>,
    tpu.vector_store %arg8[%swap3A_96, %swap3A_97], %add3A_94 {strides = array<i32>} : memref<5x64xi32, #tpu.memory_space<vmem>>, vector<16xi32>,
    %get3A_99 = arith.constant 0 : i32
    %get3A_100 = arith.index_cast %get3A_99 : i32 to index
    %get3A_101 = arith.constant 112 : index
    %get3A_102 = tpu.vector_load %arg6[%get3A_100, %get3A_101] {strides = array<i32>} : memref<1x320xi32, #tpu.memory_space<vmem>>, vector<16xi32>,
    %add3A_103 = arith.constant 1 : i32
    %add3A_104 = arith.addi %mul3A_2, %add3A_103 : i32
    %mul3A_105 = arith.constant 512 : i32
    %mul3A_106 = arith.muli %add3A_104, %mul3A_105 : i32
    %add3A_107 = vector.broadcast %mul3A_106 : i32 to vector<16xi32>
    %add3A_108 = arith.addi %get3A_102, %add3A_107 : vector<16xi32>
    %swap3A_109 = arith.constant 1 : i32
    %swap3A_110 = arith.index_cast %swap3A_109 : i32 to index
    %swap3A_111 = arith.constant 48 : index
    %swap3A_112 = tpu.vector_load %arg8[%swap3A_110, %swap3A_111] {strides = array<i32>} : memref<5x64xi32, #tpu.memory_space<vmem>>, vector<16xi32>,
    tpu.vector_store %arg8[%swap3A_110, %swap3A_111], %add3A_108 {strides = array<i32>} : memref<5x64xi32, #tpu.memory_space<vmem>>, vector<16xi32>,
    %get3A_113 = arith.constant 0 : i32
    %get3A_114 = arith.index_cast %get3A_113 : i32 to index
    %get3A_115 = arith.constant 128 : index
    %get3A_116 = tpu.vector_load %arg6[%get3A_114, %get3A_115] {strides = array<i32>} : memref<1x320xi32, #tpu.memory_space<vmem>>, vector<16xi32>,
    %add3A_117 = arith.constant 2 : i32
    %add3A_118 = arith.addi %mul3A_2, %add3A_117 : i32
    %mul3A_119 = arith.constant 512 : i32
    %mul3A_120 = arith.muli %add3A_118, %mul3A_119 : i32
    %add3A_121 = vector.broadcast %mul3A_120 : i32 to vector<16xi32>
    %add3A_122 = arith.addi %get3A_116, %add3A_121 : vector<16xi32>
    %swap3A_123 = arith.constant 2 : i32
    %swap3A_124 = arith.index_cast %swap3A_123 : i32 to index
    %swap3A_125 = arith.constant 0 : index
    %swap3A_126 = tpu.vector_load %arg8[%swap3A_124, %swap3A_125] {strides = array<i32>} : memref<5x64xi32, #tpu.memory_space<vmem>>, vector<16xi32>,
    tpu.vector_store %arg8[%swap3A_124, %swap3A_125], %add3A_122 {strides = array<i32>} : memref<5x64xi32, #tpu.memory_space<vmem>>, vector<16xi32>,
    %get3A_127 = arith.constant 0 : i32
    %get3A_128 = arith.index_cast %get3A_127 : i32 to index
    %get3A_129 = arith.constant 144 : index
    %get3A_130 = tpu.vector_load %arg6[%get3A_128, %get3A_129] {strides = array<i32>} : memref<1x320xi32, #tpu.memory_space<vmem>>, vector<16xi32>,
    %add3A_131 = arith.constant 2 : i32
    %add3A_132 = arith.addi %mul3A_2, %add3A_131 : i32
    %mul3A_133 = arith.constant 512 : i32
    %mul3A_134 = arith.muli %add3A_132, %mul3A_133 : i32
    %add3A_135 = vector.broadcast %mul3A_134 : i32 to vector<16xi32>
    %add3A_136 = arith.addi %get3A_130, %add3A_135 : vector<16xi32>
    %swap3A_137 = arith.constant 2 : i32
    %swap3A_138 = arith.index_cast %swap3A_137 : i32 to index
    %swap3A_139 = arith.constant 16 : index
    %swap3A_140 = tpu.vector_load %arg8[%swap3A_138, %swap3A_139] {strides = array<i32>} : memref<5x64xi32, #tpu.memory_space<vmem>>, vector<16xi32>,
    tpu.vector_store %arg8[%swap3A_138, %swap3A_139], %add3A_136 {strides = array<i32>} : memref<5x64xi32, #tpu.memory_space<vmem>>, vector<16xi32>,
    %get3A_141 = arith.constant 0 : i32
    %get3A_142 = arith.index_cast %get3A_141 : i32 to index
    %get3A_143 = arith.constant 160 : index
    %get3A_144 = tpu.vector_load %arg6[%get3A_142, %get3A_143] {strides = array<i32>} : memref<1x320xi32, #tpu.memory_space<vmem>>, vector<16xi32>,
    %add3A_145 = arith.constant 2 : i32
    %add3A_146 = arith.addi %mul3A_2, %add3A_145 : i32
    %mul3A_147 = arith.constant 512 : i32
    %mul3A_148 = arith.muli %add3A_146, %mul3A_147 : i32
    %add3A_149 = vector.broadcast %mul3A_148 : i32 to vector<16xi32>
    %add3A_150 = arith.addi %get3A_144, %add3A_149 : vector<16xi32>
    %swap3A_151 = arith.constant 2 : i32
    %swap3A_152 = arith.index_cast %swap3A_151 : i32 to index
    %swap3A_153 = arith.constant 32 : index
    %swap3A_154 = tpu.vector_load %arg8[%swap3A_152, %swap3A_153] {strides = array<i32>} : memref<5x64xi32, #tpu.memory_space<vmem>>, vector<16xi32>,
    tpu.vector_store %arg8[%swap3A_152, %swap3A_153], %add3A_150 {strides = array<i32>} : memref<5x64xi32, #tpu.memory_space<vmem>>, vector<16xi32>,
    %get3A_155 = arith.constant 0 : i32
    %get3A_156 = arith.index_cast %get3A_155 : i32 to index
    %get3A_157 = arith.constant 176 : index
    %get3A_158 = tpu.vector_load %arg6[%get3A_156, %get3A_157] {strides = array<i32>} : memref<1x320xi32, #tpu.memory_space<vmem>>, vector<16xi32>,
    %add3A_159 = arith.constant 2 : i32
    %add3A_160 = arith.addi %mul3A_2, %add3A_159 : i32
    %mul3A_161 = arith.constant 512 : i32
    %mul3A_162 = arith.muli %add3A_160, %mul3A_161 : i32
    %add3A_163 = vector.broadcast %mul3A_162 : i32 to vector<16xi32>
    %add3A_164 = arith.addi %get3A_158, %add3A_163 : vector<16xi32>
    %swap3A_165 = arith.constant 2 : i32
    %swap3A_166 = arith.index_cast %swap3A_165 : i32 to index
    %swap3A_167 = arith.constant 48 : index
    %swap3A_168 = tpu.vector_load %arg8[%swap3A_166, %swap3A_167] {strides = array<i32>} : memref<5x64xi32, #tpu.memory_space<vmem>>, vector<16xi32>,
    tpu.vector_store %arg8[%swap3A_166, %swap3A_167], %add3A_164 {strides = array<i32>} : memref<5x64xi32, #tpu.memory_space<vmem>>, vector<16xi32>,
    %get3A_169 = arith.constant 0 : i32
    %get3A_170 = arith.index_cast %get3A_169 : i32 to index
    %get3A_171 = arith.constant 192 : index
    %get3A_172 = tpu.vector_load %arg6[%get3A_170, %get3A_171] {strides = array<i32>} : memref<1x320xi32, #tpu.memory_space<vmem>>, vector<16xi32>,
    %add3A_173 = arith.constant 3 : i32
    %add3A_174 = arith.addi %mul3A_2, %add3A_173 : i32
    %mul3A_175 = arith.constant 512 : i32
    %mul3A_176 = arith.muli %add3A_174, %mul3A_175 : i32
    %add3A_177 = vector.broadcast %mul3A_176 : i32 to vector<16xi32>
    %add3A_178 = arith.addi %get3A_172, %add3A_177 : vector<16xi32>
    %swap3A_179 = arith.constant 3 : i32
    %swap3A_180 = arith.index_cast %swap3A_179 : i32 to index
    %swap3A_181 = arith.constant 0 : index
    %swap3A_182 = tpu.vector_load %arg8[%swap3A_180, %swap3A_181] {strides = array<i32>} : memref<5x64xi32, #tpu.memory_space<vmem>>, vector<16xi32>,
    tpu.vector_store %arg8[%swap3A_180, %swap3A_181], %add3A_178 {strides = array<i32>} : memref<5x64xi32, #tpu.memory_space<vmem>>, vector<16xi32>,
    %get3A_183 = arith.constant 0 : i32
    %get3A_184 = arith.index_cast %get3A_183 : i32 to index
    %get3A_185 = arith.constant 208 : index
    %get3A_186 = tpu.vector_load %arg6[%get3A_184, %get3A_185] {strides = array<i32>} : memref<1x320xi32, #tpu.memory_space<vmem>>, vector<16xi32>,
    %add3A_187 = arith.constant 3 : i32
    %add3A_188 = arith.addi %mul3A_2, %add3A_187 : i32
    %mul3A_189 = arith.constant 512 : i32
    %mul3A_190 = arith.muli %add3A_188, %mul3A_189 : i32
    %add3A_191 = vector.broadcast %mul3A_190 : i32 to vector<16xi32>
    %add3A_192 = arith.addi %get3A_186, %add3A_191 : vector<16xi32>
    %swap3A_193 = arith.constant 3 : i32
    %swap3A_194 = arith.index_cast %swap3A_193 : i32 to index
    %swap3A_195 = arith.constant 16 : index
    %swap3A_196 = tpu.vector_load %arg8[%swap3A_194, %swap3A_195] {strides = array<i32>} : memref<5x64xi32, #tpu.memory_space<vmem>>, vector<16xi32>,
    tpu.vector_store %arg8[%swap3A_194, %swap3A_195], %add3A_192 {strides = array<i32>} : memref<5x64xi32, #tpu.memory_space<vmem>>, vector<16xi32>,
    %get3A_197 = arith.constant 0 : i32
    %get3A_198 = arith.index_cast %get3A_197 : i32 to index
    %get3A_199 = arith.constant 224 : index
    %get3A_200 = tpu.vector_load %arg6[%get3A_198, %get3A_199] {strides = array<i32>} : memref<1x320xi32, #tpu.memory_space<vmem>>, vector<16xi32>,
    %add3A_201 = arith.constant 3 : i32
    %add3A_202 = arith.addi %mul3A_2, %add3A_201 : i32
    %mul3A_203 = arith.constant 512 : i32
    %mul3A_204 = arith.muli %add3A_202, %mul3A_203 : i32
    %add3A_205 = vector.broadcast %mul3A_204 : i32 to vector<16xi32>
    %add3A_206 = arith.addi %get3A_200, %add3A_205 : vector<16xi32>
    %swap3A_207 = arith.constant 3 : i32
    %swap3A_208 = arith.index_cast %swap3A_207 : i32 to index
    %swap3A_209 = arith.constant 32 : index
    %swap3A_210 = tpu.vector_load %arg8[%swap3A_208, %swap3A_209] {strides = array<i32>} : memref<5x64xi32, #tpu.memory_space<vmem>>, vector<16xi32>,
    tpu.vector_store %arg8[%swap3A_208, %swap3A_209], %add3A_206 {strides = array<i32>} : memref<5x64xi32, #tpu.memory_space<vmem>>, vector<16xi32>,
    %get3A_211 = arith.constant 0 : i32
    %get3A_212 = arith.index_cast %get3A_211 : i32 to index
    %get3A_213 = arith.constant 240 : index
    %get3A_214 = tpu.vector_load %arg6[%get3A_212, %get3A_213] {strides = array<i32>} : memref<1x320xi32, #tpu.memory_space<vmem>>, vector<16xi32>,
    %add3A_215 = arith.constant 3 : i32
    %add3A_216 = arith.addi %mul3A_2, %add3A_215 : i32
    %mul3A_217 = arith.constant 512 : i32
    %mul3A_218 = arith.muli %add3A_216, %mul3A_217 : i32
    %add3A_219 = vector.broadcast %mul3A_218 : i32 to vector<16xi32>
    %add3A_220 = arith.addi %get3A_214, %add3A_219 : vector<16xi32>
    %swap3A_221 = arith.constant 3 : i32
    %swap3A_222 = arith.index_cast %swap3A_221 : i32 to index
    %swap3A_223 = arith.constant 48 : index
    %swap3A_224 = tpu.vector_load %arg8[%swap3A_222, %swap3A_223] {strides = array<i32>} : memref<5x64xi32, #tpu.memory_space<vmem>>, vector<16xi32>,
    tpu.vector_store %arg8[%swap3A_222, %swap3A_223], %add3A_220 {strides = array<i32>} : memref<5x64xi32, #tpu.memory_space<vmem>>, vector<16xi32>,
    %get3A_225 = arith.constant 0 : i32
    %get3A_226 = arith.index_cast %get3A_225 : i32 to index
    %get3A_227 = arith.constant 256 : index
    %get3A_228 = tpu.vector_load %arg6[%get3A_226, %get3A_227] {strides = array<i32>} : memref<1x320xi32, #tpu.memory_space<vmem>>, vector<16xi32>,
    %add3A_229 = arith.constant 4 : i32
    %add3A_230 = arith.addi %mul3A_2, %add3A_229 : i32
    %mul3A_231 = arith.constant 512 : i32
    %mul3A_232 = arith.muli %add3A_230, %mul3A_231 : i32
    %add3A_233 = vector.broadcast %mul3A_232 : i32 to vector<16xi32>
    %add3A_234 = arith.addi %get3A_228, %add3A_233 : vector<16xi32>
    %swap3A_235 = arith.constant 4 : i32
    %swap3A_236 = arith.index_cast %swap3A_235 : i32 to index
    %swap3A_237 = arith.constant 0 : index
    %swap3A_238 = tpu.vector_load %arg8[%swap3A_236, %swap3A_237] {strides = array<i32>} : memref<5x64xi32, #tpu.memory_space<vmem>>, vector<16xi32>,
    tpu.vector_store %arg8[%swap3A_236, %swap3A_237], %add3A_234 {strides = array<i32>} : memref<5x64xi32, #tpu.memory_space<vmem>>, vector<16xi32>,
    %get3A_239 = arith.constant 0 : i32
    %get3A_240 = arith.index_cast %get3A_239 : i32 to index
    %get3A_241 = arith.constant 272 : index
    %get3A_242 = tpu.vector_load %arg6[%get3A_240, %get3A_241] {strides = array<i32>} : memref<1x320xi32, #tpu.memory_space<vmem>>, vector<16xi32>,
    %add3A_243 = arith.constant 4 : i32
    %add3A_244 = arith.addi %mul3A_2, %add3A_243 : i32
    %mul3A_245 = arith.constant 512 : i32
    %mul3A_246 = arith.muli %add3A_244, %mul3A_245 : i32
    %add3A_247 = vector.broadcast %mul3A_246 : i32 to vector<16xi32>
    %add3A_248 = arith.addi %get3A_242, %add3A_247 : vector<16xi32>
    %swap3A_249 = arith.constant 4 : i32
    %swap3A_250 = arith.index_cast %swap3A_249 : i32 to index
    %swap3A_251 = arith.constant 16 : index
    %swap3A_252 = tpu.vector_load %arg8[%swap3A_250, %swap3A_251] {strides = array<i32>} : memref<5x64xi32, #tpu.memory_space<vmem>>, vector<16xi32>,
    tpu.vector_store %arg8[%swap3A_250, %swap3A_251], %add3A_248 {strides = array<i32>} : memref<5x64xi32, #tpu.memory_space<vmem>>, vector<16xi32>,
    %get3A_253 = arith.constant 0 : i32
    %get3A_254 = arith.index_cast %get3A_253 : i32 to index
    %get3A_255 = arith.constant 288 : index
    %get3A_256 = tpu.vector_load %arg6[%get3A_254, %get3A_255] {strides = array<i32>} : memref<1x320xi32, #tpu.memory_space<vmem>>, vector<16xi32>,
    %add3A_257 = arith.constant 4 : i32
    %add3A_258 = arith.addi %mul3A_2, %add3A_257 : i32
    %mul3A_259 = arith.constant 512 : i32
    %mul3A_260 = arith.muli %add3A_258, %mul3A_259 : i32
    %add3A_261 = vector.broadcast %mul3A_260 : i32 to vector<16xi32>
    %add3A_262 = arith.addi %get3A_256, %add3A_261 : vector<16xi32>
    %swap3A_263 = arith.constant 4 : i32
    %swap3A_264 = arith.index_cast %swap3A_263 : i32 to index
    %swap3A_265 = arith.constant 32 : index
    %swap3A_266 = tpu.vector_load %arg8[%swap3A_264, %swap3A_265] {strides = array<i32>} : memref<5x64xi32, #tpu.memory_space<vmem>>, vector<16xi32>,
    tpu.vector_store %arg8[%swap3A_264, %swap3A_265], %add3A_262 {strides = array<i32>} : memref<5x64xi32, #tpu.memory_space<vmem>>, vector<16xi32>,
    %get3A_267 = arith.constant 0 : i32
    %get3A_268 = arith.index_cast %get3A_267 : i32 to index
    %get3A_269 = arith.constant 304 : index
    %get3A_270 = tpu.vector_load %arg6[%get3A_268, %get3A_269] {strides = array<i32>} : memref<1x320xi32, #tpu.memory_space<vmem>>, vector<16xi32>,
    %add3A_271 = arith.constant 4 : i32
    %add3A_272 = arith.addi %mul3A_2, %add3A_271 : i32
    %mul3A_273 = arith.constant 512 : i32
    %mul3A_274 = arith.muli %add3A_272, %mul3A_273 : i32
    %add3A_275 = vector.broadcast %mul3A_274 : i32 to vector<16xi32>
    %add3A_276 = arith.addi %get3A_270, %add3A_275 : vector<16xi32>
    %swap3A_277 = arith.constant 4 : i32
    %swap3A_278 = arith.index_cast %swap3A_277 : i32 to index
    %swap3A_279 = arith.constant 48 : index
    %swap3A_280 = tpu.vector_load %arg8[%swap3A_278, %swap3A_279] {strides = array<i32>} : memref<5x64xi32, #tpu.memory_space<vmem>>, vector<16xi32>,
    tpu.vector_store %arg8[%swap3A_278, %swap3A_279], %add3A_276 {strides = array<i32>} : memref<5x64xi32, #tpu.memory_space<vmem>>, vector<16xi32>,
    %dma_start3A = arith.constant 0 : i32
    %dma_start3A_281 = arith.constant 0 : i32
    %dma_start3A_282 = tpu.memref_slice %arg8[%dma_start3A, %dma_start3A_281] : memref<5x64xi32, #tpu.memory_space<vmem>> -> memref<1x64xi32, #tpu.memory_space<vmem>>
    %dma_start3A_283 = tpu.memref_squeeze %dma_start3A_282 : memref<1x64xi32, #tpu.memory_space<vmem>> -> memref<64xi32, #tpu.memory_space<vmem>>
    %dma_start3A_284 = arith.constant 0 : i32
    %dma_start3A_285 = arith.constant 0 : i32
    %dma_start3A_286 = tpu.memref_slice %arg2[%dma_start3A_284, %dma_start3A_285] : memref<81920x512xf32, #tpu.memory_space<hbm>> -> memref<81920x512xf32, #tpu.memory_space<hbm>>
    tpu.enqueue_indirect_dma source(%dma_start3A_286 : memref<81920x512xf32, #tpu.memory_space<hbm>>) target(%arg10 : memref<64x512xf32, #tpu.memory_space<vmem>>) offsets(%dma_start3A_283 : memref<64xi32, #tpu.memory_space<vmem>>) semaphore(%arg12 : memref<!tpu.dma_semaphore, #tpu.memory_space<semaphore_mem>>)
    %dma_start3A_287 = arith.constant 1 : i32
    %dma_start3A_288 = arith.constant 0 : i32
    %dma_start3A_289 = tpu.memref_slice %arg8[%dma_start3A_287, %dma_start3A_288] : memref<5x64xi32, #tpu.memory_space<vmem>> -> memref<1x64xi32, #tpu.memory_space<vmem>>
    %dma_start3A_290 = tpu.memref_squeeze %dma_start3A_289 : memref<1x64xi32, #tpu.memory_space<vmem>> -> memref<64xi32, #tpu.memory_space<vmem>>
    %dma_start3A_291 = arith.constant 0 : i32
    %dma_start3A_292 = arith.constant 0 : i32
    %dma_start3A_293 = tpu.memref_slice %arg2[%dma_start3A_291, %dma_start3A_292] : memref<81920x512xf32, #tpu.memory_space<hbm>> -> memref<81920x512xf32, #tpu.memory_space<hbm>>
    tpu.enqueue_indirect_dma source(%dma_start3A_293 : memref<81920x512xf32, #tpu.memory_space<hbm>>) target(%arg11 : memref<64x512xf32, #tpu.memory_space<vmem>>) offsets(%dma_start3A_290 : memref<64xi32, #tpu.memory_space<vmem>>) semaphore(%arg12 : memref<!tpu.dma_semaphore, #tpu.memory_space<semaphore_mem>>)
    %dma_wait3A = arith.constant 0 : i32
    %dma_wait3A_294 = arith.constant 0 : i32
    %dma_wait3A_295 = tpu.memref_slice %arg8[%dma_wait3A, %dma_wait3A_294] : memref<5x64xi32, #tpu.memory_space<vmem>> -> memref<1x64xi32, #tpu.memory_space<vmem>>
    %dma_wait3A_296 = tpu.memref_squeeze %dma_wait3A_295 : memref<1x64xi32, #tpu.memory_space<vmem>> -> memref<64xi32, #tpu.memory_space<vmem>>
    %dma_wait3A_297 = arith.constant 0 : i32
    %dma_wait3A_298 = arith.constant 0 : i32
    %dma_wait3A_299 = tpu.memref_slice %arg2[%dma_wait3A_297, %dma_wait3A_298] : memref<81920x512xf32, #tpu.memory_space<hbm>> -> memref<81920x512xf32, #tpu.memory_space<hbm>>
    tpu.wait_indirect_dma semaphore(%arg12 : memref<!tpu.dma_semaphore, #tpu.memory_space<semaphore_mem>>) src(%dma_wait3A_299 : memref<81920x512xf32, #tpu.memory_space<hbm>>) dst(%arg10 : memref<64x512xf32, #tpu.memory_space<vmem>>)
    %iota3A = tpu.iota {dimensions = array<i32: 0>} : vector<16xi32>
    %add3A_300 = arith.constant 0 : i32
    %add3A_301 = vector.broadcast %add3A_300 : i32 to vector<16xi32>
    %add3A_302 = arith.addi %iota3A, %add3A_301 : vector<16xi32>
    %get3A_303 = arith.constant 0 : i32
    %get3A_304 = arith.index_cast %get3A_303 : i32 to index
    %get3A_305 = arith.constant 0 : index
    %get3A_306 = tpu.vector_load %arg7[%get3A_304, %get3A_305] {strides = array<i32>} : memref<1x320xi32, #tpu.memory_space<vmem>>, vector<16xi32>,
    %gather3A = tpu.vector_load_idx %arg10[%add3A_302, %get3A_306] : memref<64x512xf32, #tpu.memory_space<vmem>>[vector<16xi32>, vector<16xi32>], vector<16xf32>,
    %swap3A_307 = arith.constant 0 : i32
    %swap3A_308 = arith.index_cast %swap3A_307 : i32 to index
    %swap3A_309 = arith.constant 0 : index
    %swap3A_310 = tpu.vector_load %arg9[%swap3A_308, %swap3A_309] {strides = array<i32>} : memref<5x64xf32, #tpu.memory_space<vmem>>, vector<16xf32>,
    tpu.vector_store %arg9[%swap3A_308, %swap3A_309], %gather3A {strides = array<i32>} : memref<5x64xf32, #tpu.memory_space<vmem>>, vector<16xf32>,
    %iota3A_311 = tpu.iota {dimensions = array<i32: 0>} : vector<16xi32>
    %add3A_312 = arith.constant 16 : i32
    %add3A_313 = vector.broadcast %add3A_312 : i32 to vector<16xi32>
    %add3A_314 = arith.addi %iota3A_311, %add3A_313 : vector<16xi32>
    %get3A_315 = arith.constant 0 : i32
    %get3A_316 = arith.index_cast %get3A_315 : i32 to index
    %get3A_317 = arith.constant 16 : index
    %get3A_318 = tpu.vector_load %arg7[%get3A_316, %get3A_317] {strides = array<i32>} : memref<1x320xi32, #tpu.memory_space<vmem>>, vector<16xi32>,
    %gather3A_319 = tpu.vector_load_idx %arg10[%add3A_314, %get3A_318] : memref<64x512xf32, #tpu.memory_space<vmem>>[vector<16xi32>, vector<16xi32>], vector<16xf32>,
    %swap3A_320 = arith.constant 0 : i32
    %swap3A_321 = arith.index_cast %swap3A_320 : i32 to index
    %swap3A_322 = arith.constant 16 : index
    %swap3A_323 = tpu.vector_load %arg9[%swap3A_321, %swap3A_322] {strides = array<i32>} : memref<5x64xf32, #tpu.memory_space<vmem>>, vector<16xf32>,
    tpu.vector_store %arg9[%swap3A_321, %swap3A_322], %gather3A_319 {strides = array<i32>} : memref<5x64xf32, #tpu.memory_space<vmem>>, vector<16xf32>,
    %iota3A_324 = tpu.iota {dimensions = array<i32: 0>} : vector<16xi32>
    %add3A_325 = arith.constant 32 : i32
    %add3A_326 = vector.broadcast %add3A_325 : i32 to vector<16xi32>
    %add3A_327 = arith.addi %iota3A_324, %add3A_326 : vector<16xi32>
    %get3A_328 = arith.constant 0 : i32
    %get3A_329 = arith.index_cast %get3A_328 : i32 to index
    %get3A_330 = arith.constant 32 : index
    %get3A_331 = tpu.vector_load %arg7[%get3A_329, %get3A_330] {strides = array<i32>} : memref<1x320xi32, #tpu.memory_space<vmem>>, vector<16xi32>,
    %gather3A_332 = tpu.vector_load_idx %arg10[%add3A_327, %get3A_331] : memref<64x512xf32, #tpu.memory_space<vmem>>[vector<16xi32>, vector<16xi32>], vector<16xf32>,
    %swap3A_333 = arith.constant 0 : i32
    %swap3A_334 = arith.index_cast %swap3A_333 : i32 to index
    %swap3A_335 = arith.constant 32 : index
    %swap3A_336 = tpu.vector_load %arg9[%swap3A_334, %swap3A_335] {strides = array<i32>} : memref<5x64xf32, #tpu.memory_space<vmem>>, vector<16xf32>,
    tpu.vector_store %arg9[%swap3A_334, %swap3A_335], %gather3A_332 {strides = array<i32>} : memref<5x64xf32, #tpu.memory_space<vmem>>, vector<16xf32>,
    %iota3A_337 = tpu.iota {dimensions = array<i32: 0>} : vector<16xi32>
    %add3A_338 = arith.constant 48 : i32
    %add3A_339 = vector.broadcast %add3A_338 : i32 to vector<16xi32>
    %add3A_340 = arith.addi %iota3A_337, %add3A_339 : vector<16xi32>
    %get3A_341 = arith.constant 0 : i32
    %get3A_342 = arith.index_cast %get3A_341 : i32 to index
    %get3A_343 = arith.constant 48 : index
    %get3A_344 = tpu.vector_load %arg7[%get3A_342, %get3A_343] {strides = array<i32>} : memref<1x320xi32, #tpu.memory_space<vmem>>, vector<16xi32>,
    %gather3A_345 = tpu.vector_load_idx %arg10[%add3A_340, %get3A_344] : memref<64x512xf32, #tpu.memory_space<vmem>>[vector<16xi32>, vector<16xi32>], vector<16xf32>,
    %swap3A_346 = arith.constant 0 : i32
    %swap3A_347 = arith.index_cast %swap3A_346 : i32 to index
    %swap3A_348 = arith.constant 48 : index
    %swap3A_349 = tpu.vector_load %arg9[%swap3A_347, %swap3A_348] {strides = array<i32>} : memref<5x64xf32, #tpu.memory_space<vmem>>, vector<16xf32>,
    tpu.vector_store %arg9[%swap3A_347, %swap3A_348], %gather3A_345 {strides = array<i32>} : memref<5x64xf32, #tpu.memory_space<vmem>>, vector<16xf32>,
    %dma_start3A_350 = arith.constant 2 : i32
    %dma_start3A_351 = arith.constant 0 : i32
    %dma_start3A_352 = tpu.memref_slice %arg8[%dma_start3A_350, %dma_start3A_351] : memref<5x64xi32, #tpu.memory_space<vmem>> -> memref<1x64xi32, #tpu.memory_space<vmem>>
    %dma_start3A_353 = tpu.memref_squeeze %dma_start3A_352 : memref<1x64xi32, #tpu.memory_space<vmem>> -> memref<64xi32, #tpu.memory_space<vmem>>
    %dma_start3A_354 = arith.constant 0 : i32
    %dma_start3A_355 = arith.constant 0 : i32
    %dma_start3A_356 = tpu.memref_slice %arg2[%dma_start3A_354, %dma_start3A_355] : memref<81920x512xf32, #tpu.memory_space<hbm>> -> memref<81920x512xf32, #tpu.memory_space<hbm>>
    tpu.enqueue_indirect_dma source(%dma_start3A_356 : memref<81920x512xf32, #tpu.memory_space<hbm>>) target(%arg10 : memref<64x512xf32, #tpu.memory_space<vmem>>) offsets(%dma_start3A_353 : memref<64xi32, #tpu.memory_space<vmem>>) semaphore(%arg12 : memref<!tpu.dma_semaphore, #tpu.memory_space<semaphore_mem>>)
    %dma_wait3A_357 = arith.constant 1 : i32
    %dma_wait3A_358 = arith.constant 0 : i32
    %dma_wait3A_359 = tpu.memref_slice %arg8[%dma_wait3A_357, %dma_wait3A_358] : memref<5x64xi32, #tpu.memory_space<vmem>> -> memref<1x64xi32, #tpu.memory_space<vmem>>
    %dma_wait3A_360 = tpu.memref_squeeze %dma_wait3A_359 : memref<1x64xi32, #tpu.memory_space<vmem>> -> memref<64xi32, #tpu.memory_space<vmem>>
    %dma_wait3A_361 = arith.constant 0 : i32
    %dma_wait3A_362 = arith.constant 0 : i32
    %dma_wait3A_363 = tpu.memref_slice %arg2[%dma_wait3A_361, %dma_wait3A_362] : memref<81920x512xf32, #tpu.memory_space<hbm>> -> memref<81920x512xf32, #tpu.memory_space<hbm>>
    tpu.wait_indirect_dma semaphore(%arg12 : memref<!tpu.dma_semaphore, #tpu.memory_space<semaphore_mem>>) src(%dma_wait3A_363 : memref<81920x512xf32, #tpu.memory_space<hbm>>) dst(%arg11 : memref<64x512xf32, #tpu.memory_space<vmem>>)
    %iota3A_364 = tpu.iota {dimensions = array<i32: 0>} : vector<16xi32>
    %add3A_365 = arith.constant 0 : i32
    %add3A_366 = vector.broadcast %add3A_365 : i32 to vector<16xi32>
    %add3A_367 = arith.addi %iota3A_364, %add3A_366 : vector<16xi32>
    %get3A_368 = arith.constant 0 : i32
    %get3A_369 = arith.index_cast %get3A_368 : i32 to index
    %get3A_370 = arith.constant 64 : index
    %get3A_371 = tpu.vector_load %arg7[%get3A_369, %get3A_370] {strides = array<i32>} : memref<1x320xi32, #tpu.memory_space<vmem>>, vector<16xi32>,
    %gather3A_372 = tpu.vector_load_idx %arg11[%add3A_367, %get3A_371] : memref<64x512xf32, #tpu.memory_space<vmem>>[vector<16xi32>, vector<16xi32>], vector<16xf32>,
    %swap3A_373 = arith.constant 1 : i32
    %swap3A_374 = arith.index_cast %swap3A_373 : i32 to index
    %swap3A_375 = arith.constant 0 : index
    %swap3A_376 = tpu.vector_load %arg9[%swap3A_374, %swap3A_375] {strides = array<i32>} : memref<5x64xf32, #tpu.memory_space<vmem>>, vector<16xf32>,
    tpu.vector_store %arg9[%swap3A_374, %swap3A_375], %gather3A_372 {strides = array<i32>} : memref<5x64xf32, #tpu.memory_space<vmem>>, vector<16xf32>,
    %iota3A_377 = tpu.iota {dimensions = array<i32: 0>} : vector<16xi32>
    %add3A_378 = arith.constant 16 : i32
    %add3A_379 = vector.broadcast %add3A_378 : i32 to vector<16xi32>
    %add3A_380 = arith.addi %iota3A_377, %add3A_379 : vector<16xi32>
    %get3A_381 = arith.constant 0 : i32
    %get3A_382 = arith.index_cast %get3A_381 : i32 to index
    %get3A_383 = arith.constant 80 : index
    %get3A_384 = tpu.vector_load %arg7[%get3A_382, %get3A_383] {strides = array<i32>} : memref<1x320xi32, #tpu.memory_space<vmem>>, vector<16xi32>,
    %gather3A_385 = tpu.vector_load_idx %arg11[%add3A_380, %get3A_384] : memref<64x512xf32, #tpu.memory_space<vmem>>[vector<16xi32>, vector<16xi32>], vector<16xf32>,
    %swap3A_386 = arith.constant 1 : i32
    %swap3A_387 = arith.index_cast %swap3A_386 : i32 to index
    %swap3A_388 = arith.constant 16 : index
    %swap3A_389 = tpu.vector_load %arg9[%swap3A_387, %swap3A_388] {strides = array<i32>} : memref<5x64xf32, #tpu.memory_space<vmem>>, vector<16xf32>,
    tpu.vector_store %arg9[%swap3A_387, %swap3A_388], %gather3A_385 {strides = array<i32>} : memref<5x64xf32, #tpu.memory_space<vmem>>, vector<16xf32>,
    %iota3A_390 = tpu.iota {dimensions = array<i32: 0>} : vector<16xi32>
    %add3A_391 = arith.constant 32 : i32
    %add3A_392 = vector.broadcast %add3A_391 : i32 to vector<16xi32>
    %add3A_393 = arith.addi %iota3A_390, %add3A_392 : vector<16xi32>
    %get3A_394 = arith.constant 0 : i32
    %get3A_395 = arith.index_cast %get3A_394 : i32 to index
    %get3A_396 = arith.constant 96 : index
    %get3A_397 = tpu.vector_load %arg7[%get3A_395, %get3A_396] {strides = array<i32>} : memref<1x320xi32, #tpu.memory_space<vmem>>, vector<16xi32>,
    %gather3A_398 = tpu.vector_load_idx %arg11[%add3A_393, %get3A_397] : memref<64x512xf32, #tpu.memory_space<vmem>>[vector<16xi32>, vector<16xi32>], vector<16xf32>,
    %swap3A_399 = arith.constant 1 : i32
    %swap3A_400 = arith.index_cast %swap3A_399 : i32 to index
    %swap3A_401 = arith.constant 32 : index
    %swap3A_402 = tpu.vector_load %arg9[%swap3A_400, %swap3A_401] {strides = array<i32>} : memref<5x64xf32, #tpu.memory_space<vmem>>, vector<16xf32>,
    tpu.vector_store %arg9[%swap3A_400, %swap3A_401], %gather3A_398 {strides = array<i32>} : memref<5x64xf32, #tpu.memory_space<vmem>>, vector<16xf32>,
    %iota3A_403 = tpu.iota {dimensions = array<i32: 0>} : vector<16xi32>
    %add3A_404 = arith.constant 48 : i32
    %add3A_405 = vector.broadcast %add3A_404 : i32 to vector<16xi32>
    %add3A_406 = arith.addi %iota3A_403, %add3A_405 : vector<16xi32>
    %get3A_407 = arith.constant 0 : i32
    %get3A_408 = arith.index_cast %get3A_407 : i32 to index
    %get3A_409 = arith.constant 112 : index
    %get3A_410 = tpu.vector_load %arg7[%get3A_408, %get3A_409] {strides = array<i32>} : memref<1x320xi32, #tpu.memory_space<vmem>>, vector<16xi32>,
    %gather3A_411 = tpu.vector_load_idx %arg11[%add3A_406, %get3A_410] : memref<64x512xf32, #tpu.memory_space<vmem>>[vector<16xi32>, vector<16xi32>], vector<16xf32>,
    %swap3A_412 = arith.constant 1 : i32
    %swap3A_413 = arith.index_cast %swap3A_412 : i32 to index
    %swap3A_414 = arith.constant 48 : index
    %swap3A_415 = tpu.vector_load %arg9[%swap3A_413, %swap3A_414] {strides = array<i32>} : memref<5x64xf32, #tpu.memory_space<vmem>>, vector<16xf32>,
    tpu.vector_store %arg9[%swap3A_413, %swap3A_414], %gather3A_411 {strides = array<i32>} : memref<5x64xf32, #tpu.memory_space<vmem>>, vector<16xf32>,
    %dma_start3A_416 = arith.constant 3 : i32
    %dma_start3A_417 = arith.constant 0 : i32
    %dma_start3A_418 = tpu.memref_slice %arg8[%dma_start3A_416, %dma_start3A_417] : memref<5x64xi32, #tpu.memory_space<vmem>> -> memref<1x64xi32, #tpu.memory_space<vmem>>
    %dma_start3A_419 = tpu.memref_squeeze %dma_start3A_418 : memref<1x64xi32, #tpu.memory_space<vmem>> -> memref<64xi32, #tpu.memory_space<vmem>>
    %dma_start3A_420 = arith.constant 0 : i32
    %dma_start3A_421 = arith.constant 0 : i32
    %dma_start3A_422 = tpu.memref_slice %arg2[%dma_start3A_420, %dma_start3A_421] : memref<81920x512xf32, #tpu.memory_space<hbm>> -> memref<81920x512xf32, #tpu.memory_space<hbm>>
    tpu.enqueue_indirect_dma source(%dma_start3A_422 : memref<81920x512xf32, #tpu.memory_space<hbm>>) target(%arg11 : memref<64x512xf32, #tpu.memory_space<vmem>>) offsets(%dma_start3A_419 : memref<64xi32, #tpu.memory_space<vmem>>) semaphore(%arg12 : memref<!tpu.dma_semaphore, #tpu.memory_space<semaphore_mem>>)
    %dma_wait3A_423 = arith.constant 2 : i32
    %dma_wait3A_424 = arith.constant 0 : i32
    %dma_wait3A_425 = tpu.memref_slice %arg8[%dma_wait3A_423, %dma_wait3A_424] : memref<5x64xi32, #tpu.memory_space<vmem>> -> memref<1x64xi32, #tpu.memory_space<vmem>>
    %dma_wait3A_426 = tpu.memref_squeeze %dma_wait3A_425 : memref<1x64xi32, #tpu.memory_space<vmem>> -> memref<64xi32, #tpu.memory_space<vmem>>
    %dma_wait3A_427 = arith.constant 0 : i32
    %dma_wait3A_428 = arith.constant 0 : i32
    %dma_wait3A_429 = tpu.memref_slice %arg2[%dma_wait3A_427, %dma_wait3A_428] : memref<81920x512xf32, #tpu.memory_space<hbm>> -> memref<81920x512xf32, #tpu.memory_space<hbm>>
    tpu.wait_indirect_dma semaphore(%arg12 : memref<!tpu.dma_semaphore, #tpu.memory_space<semaphore_mem>>) src(%dma_wait3A_429 : memref<81920x512xf32, #tpu.memory_space<hbm>>) dst(%arg10 : memref<64x512xf32, #tpu.memory_space<vmem>>)
    %iota3A_430 = tpu.iota {dimensions = array<i32: 0>} : vector<16xi32>
    %add3A_431 = arith.constant 0 : i32
    %add3A_432 = vector.broadcast %add3A_431 : i32 to vector<16xi32>
    %add3A_433 = arith.addi %iota3A_430, %add3A_432 : vector<16xi32>
    %get3A_434 = arith.constant 0 : i32
    %get3A_435 = arith.index_cast %get3A_434 : i32 to index
    %get3A_436 = arith.constant 128 : index
    %get3A_437 = tpu.vector_load %arg7[%get3A_435, %get3A_436] {strides = array<i32>} : memref<1x320xi32, #tpu.memory_space<vmem>>, vector<16xi32>,
    %gather3A_438 = tpu.vector_load_idx %arg10[%add3A_433, %get3A_437] : memref<64x512xf32, #tpu.memory_space<vmem>>[vector<16xi32>, vector<16xi32>], vector<16xf32>,
    %swap3A_439 = arith.constant 2 : i32
    %swap3A_440 = arith.index_cast %swap3A_439 : i32 to index
    %swap3A_441 = arith.constant 0 : index
    %swap3A_442 = tpu.vector_load %arg9[%swap3A_440, %swap3A_441] {strides = array<i32>} : memref<5x64xf32, #tpu.memory_space<vmem>>, vector<16xf32>,
    tpu.vector_store %arg9[%swap3A_440, %swap3A_441], %gather3A_438 {strides = array<i32>} : memref<5x64xf32, #tpu.memory_space<vmem>>, vector<16xf32>,
    %iota3A_443 = tpu.iota {dimensions = array<i32: 0>} : vector<16xi32>
    %add3A_444 = arith.constant 16 : i32
    %add3A_445 = vector.broadcast %add3A_444 : i32 to vector<16xi32>
    %add3A_446 = arith.addi %iota3A_443, %add3A_445 : vector<16xi32>
    %get3A_447 = arith.constant 0 : i32
    %get3A_448 = arith.index_cast %get3A_447 : i32 to index
    %get3A_449 = arith.constant 144 : index
    %get3A_450 = tpu.vector_load %arg7[%get3A_448, %get3A_449] {strides = array<i32>} : memref<1x320xi32, #tpu.memory_space<vmem>>, vector<16xi32>,
    %gather3A_451 = tpu.vector_load_idx %arg10[%add3A_446, %get3A_450] : memref<64x512xf32, #tpu.memory_space<vmem>>[vector<16xi32>, vector<16xi32>], vector<16xf32>,
    %swap3A_452 = arith.constant 2 : i32
    %swap3A_453 = arith.index_cast %swap3A_452 : i32 to index
    %swap3A_454 = arith.constant 16 : index
    %swap3A_455 = tpu.vector_load %arg9[%swap3A_453, %swap3A_454] {strides = array<i32>} : memref<5x64xf32, #tpu.memory_space<vmem>>, vector<16xf32>,
    tpu.vector_store %arg9[%swap3A_453, %swap3A_454], %gather3A_451 {strides = array<i32>} : memref<5x64xf32, #tpu.memory_space<vmem>>, vector<16xf32>,
    %iota3A_456 = tpu.iota {dimensions = array<i32: 0>} : vector<16xi32>
    %add3A_457 = arith.constant 32 : i32
    %add3A_458 = vector.broadcast %add3A_457 : i32 to vector<16xi32>
    %add3A_459 = arith.addi %iota3A_456, %add3A_458 : vector<16xi32>
    %get3A_460 = arith.constant 0 : i32
    %get3A_461 = arith.index_cast %get3A_460 : i32 to index
    %get3A_462 = arith.constant 160 : index
    %get3A_463 = tpu.vector_load %arg7[%get3A_461, %get3A_462] {strides = array<i32>} : memref<1x320xi32, #tpu.memory_space<vmem>>, vector<16xi32>,
    %gather3A_464 = tpu.vector_load_idx %arg10[%add3A_459, %get3A_463] : memref<64x512xf32, #tpu.memory_space<vmem>>[vector<16xi32>, vector<16xi32>], vector<16xf32>,
    %swap3A_465 = arith.constant 2 : i32
    %swap3A_466 = arith.index_cast %swap3A_465 : i32 to index
    %swap3A_467 = arith.constant 32 : index
    %swap3A_468 = tpu.vector_load %arg9[%swap3A_466, %swap3A_467] {strides = array<i32>} : memref<5x64xf32, #tpu.memory_space<vmem>>, vector<16xf32>,
    tpu.vector_store %arg9[%swap3A_466, %swap3A_467], %gather3A_464 {strides = array<i32>} : memref<5x64xf32, #tpu.memory_space<vmem>>, vector<16xf32>,
    %iota3A_469 = tpu.iota {dimensions = array<i32: 0>} : vector<16xi32>
    %add3A_470 = arith.constant 48 : i32
    %add3A_471 = vector.broadcast %add3A_470 : i32 to vector<16xi32>
    %add3A_472 = arith.addi %iota3A_469, %add3A_471 : vector<16xi32>
    %get3A_473 = arith.constant 0 : i32
    %get3A_474 = arith.index_cast %get3A_473 : i32 to index
    %get3A_475 = arith.constant 176 : index
    %get3A_476 = tpu.vector_load %arg7[%get3A_474, %get3A_475] {strides = array<i32>} : memref<1x320xi32, #tpu.memory_space<vmem>>, vector<16xi32>,
    %gather3A_477 = tpu.vector_load_idx %arg10[%add3A_472, %get3A_476] : memref<64x512xf32, #tpu.memory_space<vmem>>[vector<16xi32>, vector<16xi32>], vector<16xf32>,
    %swap3A_478 = arith.constant 2 : i32
    %swap3A_479 = arith.index_cast %swap3A_478 : i32 to index
    %swap3A_480 = arith.constant 48 : index
    %swap3A_481 = tpu.vector_load %arg9[%swap3A_479, %swap3A_480] {strides = array<i32>} : memref<5x64xf32, #tpu.memory_space<vmem>>, vector<16xf32>,
    tpu.vector_store %arg9[%swap3A_479, %swap3A_480], %gather3A_477 {strides = array<i32>} : memref<5x64xf32, #tpu.memory_space<vmem>>, vector<16xf32>,
    %dma_start3A_482 = arith.constant 4 : i32
    %dma_start3A_483 = arith.constant 0 : i32
    %dma_start3A_484 = tpu.memref_slice %arg8[%dma_start3A_482, %dma_start3A_483] : memref<5x64xi32, #tpu.memory_space<vmem>> -> memref<1x64xi32, #tpu.memory_space<vmem>>
    %dma_start3A_485 = tpu.memref_squeeze %dma_start3A_484 : memref<1x64xi32, #tpu.memory_space<vmem>> -> memref<64xi32, #tpu.memory_space<vmem>>
    %dma_start3A_486 = arith.constant 0 : i32
    %dma_start3A_487 = arith.constant 0 : i32
    %dma_start3A_488 = tpu.memref_slice %arg2[%dma_start3A_486, %dma_start3A_487] : memref<81920x512xf32, #tpu.memory_space<hbm>> -> memref<81920x512xf32, #tpu.memory_space<hbm>>
    tpu.enqueue_indirect_dma source(%dma_start3A_488 : memref<81920x512xf32, #tpu.memory_space<hbm>>) target(%arg10 : memref<64x512xf32, #tpu.memory_space<vmem>>) offsets(%dma_start3A_485 : memref<64xi32, #tpu.memory_space<vmem>>) semaphore(%arg12 : memref<!tpu.dma_semaphore, #tpu.memory_space<semaphore_mem>>)
    %dma_wait3A_489 = arith.constant 3 : i32
    %dma_wait3A_490 = arith.constant 0 : i32
    %dma_wait3A_491 = tpu.memref_slice %arg8[%dma_wait3A_489, %dma_wait3A_490] : memref<5x64xi32, #tpu.memory_space<vmem>> -> memref<1x64xi32, #tpu.memory_space<vmem>>
    %dma_wait3A_492 = tpu.memref_squeeze %dma_wait3A_491 : memref<1x64xi32, #tpu.memory_space<vmem>> -> memref<64xi32, #tpu.memory_space<vmem>>
    %dma_wait3A_493 = arith.constant 0 : i32
    %dma_wait3A_494 = arith.constant 0 : i32
    %dma_wait3A_495 = tpu.memref_slice %arg2[%dma_wait3A_493, %dma_wait3A_494] : memref<81920x512xf32, #tpu.memory_space<hbm>> -> memref<81920x512xf32, #tpu.memory_space<hbm>>
    tpu.wait_indirect_dma semaphore(%arg12 : memref<!tpu.dma_semaphore, #tpu.memory_space<semaphore_mem>>) src(%dma_wait3A_495 : memref<81920x512xf32, #tpu.memory_space<hbm>>) dst(%arg11 : memref<64x512xf32, #tpu.memory_space<vmem>>)
    %iota3A_496 = tpu.iota {dimensions = array<i32: 0>} : vector<16xi32>
    %add3A_497 = arith.constant 0 : i32
    %add3A_498 = vector.broadcast %add3A_497 : i32 to vector<16xi32>
    %add3A_499 = arith.addi %iota3A_496, %add3A_498 : vector<16xi32>
    %get3A_500 = arith.constant 0 : i32
    %get3A_501 = arith.index_cast %get3A_500 : i32 to index
    %get3A_502 = arith.constant 192 : index
    %get3A_503 = tpu.vector_load %arg7[%get3A_501, %get3A_502] {strides = array<i32>} : memref<1x320xi32, #tpu.memory_space<vmem>>, vector<16xi32>,
    %gather3A_504 = tpu.vector_load_idx %arg11[%add3A_499, %get3A_503] : memref<64x512xf32, #tpu.memory_space<vmem>>[vector<16xi32>, vector<16xi32>], vector<16xf32>,
    %swap3A_505 = arith.constant 3 : i32
    %swap3A_506 = arith.index_cast %swap3A_505 : i32 to index
    %swap3A_507 = arith.constant 0 : index
    %swap3A_508 = tpu.vector_load %arg9[%swap3A_506, %swap3A_507] {strides = array<i32>} : memref<5x64xf32, #tpu.memory_space<vmem>>, vector<16xf32>,
    tpu.vector_store %arg9[%swap3A_506, %swap3A_507], %gather3A_504 {strides = array<i32>} : memref<5x64xf32, #tpu.memory_space<vmem>>, vector<16xf32>,
    %iota3A_509 = tpu.iota {dimensions = array<i32: 0>} : vector<16xi32>
    %add3A_510 = arith.constant 16 : i32
    %add3A_511 = vector.broadcast %add3A_510 : i32 to vector<16xi32>
    %add3A_512 = arith.addi %iota3A_509, %add3A_511 : vector<16xi32>
    %get3A_513 = arith.constant 0 : i32
    %get3A_514 = arith.index_cast %get3A_513 : i32 to index
    %get3A_515 = arith.constant 208 : index
    %get3A_516 = tpu.vector_load %arg7[%get3A_514, %get3A_515] {strides = array<i32>} : memref<1x320xi32, #tpu.memory_space<vmem>>, vector<16xi32>,
    %gather3A_517 = tpu.vector_load_idx %arg11[%add3A_512, %get3A_516] : memref<64x512xf32, #tpu.memory_space<vmem>>[vector<16xi32>, vector<16xi32>], vector<16xf32>,
    %swap3A_518 = arith.constant 3 : i32
    %swap3A_519 = arith.index_cast %swap3A_518 : i32 to index
    %swap3A_520 = arith.constant 16 : index
    %swap3A_521 = tpu.vector_load %arg9[%swap3A_519, %swap3A_520] {strides = array<i32>} : memref<5x64xf32, #tpu.memory_space<vmem>>, vector<16xf32>,
    tpu.vector_store %arg9[%swap3A_519, %swap3A_520], %gather3A_517 {strides = array<i32>} : memref<5x64xf32, #tpu.memory_space<vmem>>, vector<16xf32>,
    %iota3A_522 = tpu.iota {dimensions = array<i32: 0>} : vector<16xi32>
    %add3A_523 = arith.constant 32 : i32
    %add3A_524 = vector.broadcast %add3A_523 : i32 to vector<16xi32>
    %add3A_525 = arith.addi %iota3A_522, %add3A_524 : vector<16xi32>
    %get3A_526 = arith.constant 0 : i32
    %get3A_527 = arith.index_cast %get3A_526 : i32 to index
    %get3A_528 = arith.constant 224 : index
    %get3A_529 = tpu.vector_load %arg7[%get3A_527, %get3A_528] {strides = array<i32>} : memref<1x320xi32, #tpu.memory_space<vmem>>, vector<16xi32>,
    %gather3A_530 = tpu.vector_load_idx %arg11[%add3A_525, %get3A_529] : memref<64x512xf32, #tpu.memory_space<vmem>>[vector<16xi32>, vector<16xi32>], vector<16xf32>,
    %swap3A_531 = arith.constant 3 : i32
    %swap3A_532 = arith.index_cast %swap3A_531 : i32 to index
    %swap3A_533 = arith.constant 32 : index
    %swap3A_534 = tpu.vector_load %arg9[%swap3A_532, %swap3A_533] {strides = array<i32>} : memref<5x64xf32, #tpu.memory_space<vmem>>, vector<16xf32>,
    tpu.vector_store %arg9[%swap3A_532, %swap3A_533], %gather3A_530 {strides = array<i32>} : memref<5x64xf32, #tpu.memory_space<vmem>>, vector<16xf32>,
    %iota3A_535 = tpu.iota {dimensions = array<i32: 0>} : vector<16xi32>
    %add3A_536 = arith.constant 48 : i32
    %add3A_537 = vector.broadcast %add3A_536 : i32 to vector<16xi32>
    %add3A_538 = arith.addi %iota3A_535, %add3A_537 : vector<16xi32>
    %get3A_539 = arith.constant 0 : i32
    %get3A_540 = arith.index_cast %get3A_539 : i32 to index
    %get3A_541 = arith.constant 240 : index
    %get3A_542 = tpu.vector_load %arg7[%get3A_540, %get3A_541] {strides = array<i32>} : memref<1x320xi32, #tpu.memory_space<vmem>>, vector<16xi32>,
    %gather3A_543 = tpu.vector_load_idx %arg11[%add3A_538, %get3A_542] : memref<64x512xf32, #tpu.memory_space<vmem>>[vector<16xi32>, vector<16xi32>], vector<16xf32>,
    %swap3A_544 = arith.constant 3 : i32
    %swap3A_545 = arith.index_cast %swap3A_544 : i32 to index
    %swap3A_546 = arith.constant 48 : index
    %swap3A_547 = tpu.vector_load %arg9[%swap3A_545, %swap3A_546] {strides = array<i32>} : memref<5x64xf32, #tpu.memory_space<vmem>>, vector<16xf32>,
    tpu.vector_store %arg9[%swap3A_545, %swap3A_546], %gather3A_543 {strides = array<i32>} : memref<5x64xf32, #tpu.memory_space<vmem>>, vector<16xf32>,
    %dma_wait3A_548 = arith.constant 4 : i32
    %dma_wait3A_549 = arith.constant 0 : i32
    %dma_wait3A_550 = tpu.memref_slice %arg8[%dma_wait3A_548, %dma_wait3A_549] : memref<5x64xi32, #tpu.memory_space<vmem>> -> memref<1x64xi32, #tpu.memory_space<vmem>>
    %dma_wait3A_551 = tpu.memref_squeeze %dma_wait3A_550 : memref<1x64xi32, #tpu.memory_space<vmem>> -> memref<64xi32, #tpu.memory_space<vmem>>
    %dma_wait3A_552 = arith.constant 0 : i32
    %dma_wait3A_553 = arith.constant 0 : i32
    %dma_wait3A_554 = tpu.memref_slice %arg2[%dma_wait3A_552, %dma_wait3A_553] : memref<81920x512xf32, #tpu.memory_space<hbm>> -> memref<81920x512xf32, #tpu.memory_space<hbm>>
    tpu.wait_indirect_dma semaphore(%arg12 : memref<!tpu.dma_semaphore, #tpu.memory_space<semaphore_mem>>) src(%dma_wait3A_554 : memref<81920x512xf32, #tpu.memory_space<hbm>>) dst(%arg10 : memref<64x512xf32, #tpu.memory_space<vmem>>)
    %iota3A_555 = tpu.iota {dimensions = array<i32: 0>} : vector<16xi32>
    %add3A_556 = arith.constant 0 : i32
    %add3A_557 = vector.broadcast %add3A_556 : i32 to vector<16xi32>
    %add3A_558 = arith.addi %iota3A_555, %add3A_557 : vector<16xi32>
    %get3A_559 = arith.constant 0 : i32
    %get3A_560 = arith.index_cast %get3A_559 : i32 to index
    %get3A_561 = arith.constant 256 : index
    %get3A_562 = tpu.vector_load %arg7[%get3A_560, %get3A_561] {strides = array<i32>} : memref<1x320xi32, #tpu.memory_space<vmem>>, vector<16xi32>,
    %gather3A_563 = tpu.vector_load_idx %arg10[%add3A_558, %get3A_562] : memref<64x512xf32, #tpu.memory_space<vmem>>[vector<16xi32>, vector<16xi32>], vector<16xf32>,
    %swap3A_564 = arith.constant 4 : i32
    %swap3A_565 = arith.index_cast %swap3A_564 : i32 to index
    %swap3A_566 = arith.constant 0 : index
    %swap3A_567 = tpu.vector_load %arg9[%swap3A_565, %swap3A_566] {strides = array<i32>} : memref<5x64xf32, #tpu.memory_space<vmem>>, vector<16xf32>,
    tpu.vector_store %arg9[%swap3A_565, %swap3A_566], %gather3A_563 {strides = array<i32>} : memref<5x64xf32, #tpu.memory_space<vmem>>, vector<16xf32>,
    %iota3A_568 = tpu.iota {dimensions = array<i32: 0>} : vector<16xi32>
    %add3A_569 = arith.constant 16 : i32
    %add3A_570 = vector.broadcast %add3A_569 : i32 to vector<16xi32>
    %add3A_571 = arith.addi %iota3A_568, %add3A_570 : vector<16xi32>
    %get3A_572 = arith.constant 0 : i32
    %get3A_573 = arith.index_cast %get3A_572 : i32 to index
    %get3A_574 = arith.constant 272 : index
    %get3A_575 = tpu.vector_load %arg7[%get3A_573, %get3A_574] {strides = array<i32>} : memref<1x320xi32, #tpu.memory_space<vmem>>, vector<16xi32>,
    %gather3A_576 = tpu.vector_load_idx %arg10[%add3A_571, %get3A_575] : memref<64x512xf32, #tpu.memory_space<vmem>>[vector<16xi32>, vector<16xi32>], vector<16xf32>,
    %swap3A_577 = arith.constant 4 : i32
    %swap3A_578 = arith.index_cast %swap3A_577 : i32 to index
    %swap3A_579 = arith.constant 16 : index
    %swap3A_580 = tpu.vector_load %arg9[%swap3A_578, %swap3A_579] {strides = array<i32>} : memref<5x64xf32, #tpu.memory_space<vmem>>, vector<16xf32>,
    tpu.vector_store %arg9[%swap3A_578, %swap3A_579], %gather3A_576 {strides = array<i32>} : memref<5x64xf32, #tpu.memory_space<vmem>>, vector<16xf32>,
    %iota3A_581 = tpu.iota {dimensions = array<i32: 0>} : vector<16xi32>
    %add3A_582 = arith.constant 32 : i32
    %add3A_583 = vector.broadcast %add3A_582 : i32 to vector<16xi32>
    %add3A_584 = arith.addi %iota3A_581, %add3A_583 : vector<16xi32>
    %get3A_585 = arith.constant 0 : i32
    %get3A_586 = arith.index_cast %get3A_585 : i32 to index
    %get3A_587 = arith.constant 288 : index
    %get3A_588 = tpu.vector_load %arg7[%get3A_586, %get3A_587] {strides = array<i32>} : memref<1x320xi32, #tpu.memory_space<vmem>>, vector<16xi32>,
    %gather3A_589 = tpu.vector_load_idx %arg10[%add3A_584, %get3A_588] : memref<64x512xf32, #tpu.memory_space<vmem>>[vector<16xi32>, vector<16xi32>], vector<16xf32>,
    %swap3A_590 = arith.constant 4 : i32
    %swap3A_591 = arith.index_cast %swap3A_590 : i32 to index
    %swap3A_592 = arith.constant 32 : index
    %swap3A_593 = tpu.vector_load %arg9[%swap3A_591, %swap3A_592] {strides = array<i32>} : memref<5x64xf32, #tpu.memory_space<vmem>>, vector<16xf32>,
    tpu.vector_store %arg9[%swap3A_591, %swap3A_592], %gather3A_589 {strides = array<i32>} : memref<5x64xf32, #tpu.memory_space<vmem>>, vector<16xf32>,
    %iota3A_594 = tpu.iota {dimensions = array<i32: 0>} : vector<16xi32>
    %add3A_595 = arith.constant 48 : i32
    %add3A_596 = vector.broadcast %add3A_595 : i32 to vector<16xi32>
    %add3A_597 = arith.addi %iota3A_594, %add3A_596 : vector<16xi32>
    %get3A_598 = arith.constant 0 : i32
    %get3A_599 = arith.index_cast %get3A_598 : i32 to index
    %get3A_600 = arith.constant 304 : index
    %get3A_601 = tpu.vector_load %arg7[%get3A_599, %get3A_600] {strides = array<i32>} : memref<1x320xi32, #tpu.memory_space<vmem>>, vector<16xi32>,
    %gather3A_602 = tpu.vector_load_idx %arg10[%add3A_597, %get3A_601] : memref<64x512xf32, #tpu.memory_space<vmem>>[vector<16xi32>, vector<16xi32>], vector<16xf32>,
    %swap3A_603 = arith.constant 4 : i32
    %swap3A_604 = arith.index_cast %swap3A_603 : i32 to index
    %swap3A_605 = arith.constant 48 : index
    %swap3A_606 = tpu.vector_load %arg9[%swap3A_604, %swap3A_605] {strides = array<i32>} : memref<5x64xf32, #tpu.memory_space<vmem>>, vector<16xf32>,
    tpu.vector_store %arg9[%swap3A_604, %swap3A_605], %gather3A_602 {strides = array<i32>} : memref<5x64xf32, #tpu.memory_space<vmem>>, vector<16xf32>,
    "tpu.region"() ({
      %run_scoped3A = tpu.sem_alloc : memref<!tpu.dma_semaphore, #tpu.memory_space<semaphore_mem>>
      %dma_start3A_607 = arith.constant 0 : i32
      %dma_start3A_608 = arith.constant 0 : i32
      %dma_start3A_609 = tpu.memref_slice %arg5[%add3A, %dma_start3A_607, %dma_start3A_608] : memref<32x5x64xf32, #tpu.memory_space<hbm>> -> memref<1x5x64xf32, #tpu.memory_space<hbm>>
      %dma_start3A_610 = tpu.memref_squeeze %dma_start3A_609 : memref<1x5x64xf32, #tpu.memory_space<hbm>> -> memref<5x64xf32, #tpu.memory_space<hbm>>
      %dma_start3A_611 = arith.constant 0 : i32
      %dma_start3A_612 = arith.constant 0 : i32
      %dma_start3A_613 = tpu.memref_slice %arg5[%add3A, %dma_start3A_611, %dma_start3A_612] : memref<32x5x64xf32, #tpu.memory_space<hbm>> -> memref<1x5x64xf32, #tpu.memory_space<hbm>>
      %dma_start3A_614 = tpu.memref_squeeze %dma_start3A_613 : memref<1x5x64xf32, #tpu.memory_space<hbm>> -> memref<5x64xf32, #tpu.memory_space<hbm>>
      tpu.enqueue_dma source(%arg9 : memref<5x64xf32, #tpu.memory_space<vmem>>) target(%dma_start3A_614 : memref<5x64xf32, #tpu.memory_space<hbm>>) target_semaphore(%run_scoped3A : memref<!tpu.dma_semaphore, #tpu.memory_space<semaphore_mem>>)
      %dma_wait3A_615 = arith.constant 0 : i32
      %dma_wait3A_616 = arith.constant 0 : i32
      %dma_wait3A_617 = tpu.memref_slice %arg5[%add3A, %dma_wait3A_615, %dma_wait3A_616] : memref<32x5x64xf32, #tpu.memory_space<hbm>> -> memref<1x5x64xf32, #tpu.memory_space<hbm>>
      %dma_wait3A_618 = tpu.memref_squeeze %dma_wait3A_617 : memref<1x5x64xf32, #tpu.memory_space<hbm>> -> memref<5x64xf32, #tpu.memory_space<hbm>>
      %dma_wait3A_619 = arith.constant 0 : i32
      %dma_wait3A_620 = arith.constant 0 : i32
      %dma_wait3A_621 = tpu.memref_slice %arg5[%add3A, %dma_wait3A_619, %dma_wait3A_620] : memref<32x5x64xf32, #tpu.memory_space<hbm>> -> memref<1x5x64xf32, #tpu.memory_space<hbm>>
      %dma_wait3A_622 = tpu.memref_squeeze %dma_wait3A_621 : memref<1x5x64xf32, #tpu.memory_space<hbm>> -> memref<5x64xf32, #tpu.memory_space<hbm>>
      tpu.wait_dma2 semaphore(%run_scoped3A : memref<!tpu.dma_semaphore, #tpu.memory_space<semaphore_mem>>) src(%arg9 : memref<5x64xf32, #tpu.memory_space<vmem>>) dst(%dma_wait3A_622 : memref<5x64xf32, #tpu.memory_space<hbm>>)
      tpu.yield
    }) : () -> ()
    return
  }
}

module attributes {stable_mosaic.version = 14 : i64} {
  func.func @_row_loss_kernel(%arg0: i32, %arg1: memref<8x256x512xf32, #tpu.memory_space<vmem>>, %arg2: memref<8x256x512xf32, #tpu.memory_space<vmem>>, %arg3: memref<8x1x64xf32, #tpu.memory_space<vmem>>, %arg4: memref<8x1x64xi32, #tpu.memory_space<vmem>>, %arg5: memref<8x1x64xi32, #tpu.memory_space<vmem>>, %arg6: memref<8x64x1xi32, #tpu.memory_space<vmem>>, %arg7: memref<8x64x1xi32, #tpu.memory_space<vmem>>, %arg8: memref<1x1x128xf32, #tpu.memory_space<vmem>>) attributes {dimension_semantics = [#tpu.dimension_semantics<arbitrary>], iteration_bounds = array<i64: 20>, scalar_prefetch = 0 : i64, scratch_operands = 0 : i64, tpu.core_type = #tpu.core_type<tc>, window_params = [{transform_indices = @transform_0, window_bounds = array<i64: 8, 256, 512>}, {transform_indices = @transform_1, window_bounds = array<i64: 8, 256, 512>}, {transform_indices = @transform_2, window_bounds = array<i64: 8, 1, 64>}, {transform_indices = @transform_3, window_bounds = array<i64: 8, 1, 64>}, {transform_indices = @transform_4, window_bounds = array<i64: 8, 1, 64>}, {transform_indices = @transform_5, window_bounds = array<i64: 8, 64, 1>}, {transform_indices = @transform_6, window_bounds = array<i64: 8, 64, 1>}, {transform_indices = @transform_7, window_bounds = array<i64: 1, 1, 128>}]} {
    %jit3A = arith.constant 4 : i32
    %eq3A = arith.constant 0 : i32
    %eq3A_0 = arith.cmpi eq, %jit3A, %eq3A : i32
    %jit3A_1 = arith.constant 1 : i32
    %select_n3A = arith.select %eq3A_0, %jit3A_1, %jit3A : i32
    %rem3A = arith.remsi %arg0, %select_n3A : i32
    %ne3A = arith.constant 0 : i32
    %ne3A_2 = arith.cmpi ne, %rem3A, %ne3A : i32
    %lt3A = arith.constant 0 : i32
    %lt3A_3 = arith.cmpi slt, %rem3A, %lt3A : i32
    %lt3A_4 = arith.constant 0 : i32
    %lt3A_5 = arith.cmpi slt, %select_n3A, %lt3A_4 : i32
    %ne3A_6 = arith.xori %lt3A_3, %lt3A_5 : i1
    %and3A = arith.andi %ne3A_6, %ne3A_2 : i1
    %add3A = arith.addi %rem3A, %select_n3A : i32
    %select_n3A_7 = arith.select %and3A, %add3A, %rem3A : i32
    %eq3A_8 = arith.constant 0 : i32
    %eq3A_9 = arith.cmpi eq, %select_n3A_7, %eq3A_8 : i32
    %convert_element_type3A = arith.extui %eq3A_9 : i1 to i32
    %cond3A = arith.constant 0 : i32
    %cond3A_10 = arith.cmpi ne, %convert_element_type3A, %cond3A : i32
    scf.if %cond3A_10 {
      %broadcast_in_dim3A_112 = arith.constant 0.000000e+00 : f32
      %broadcast_in_dim3A_113 = vector.broadcast %broadcast_in_dim3A_112 : f32 to vector<1x1x128xf32>
      %swap3A_114 = arith.constant 0 : index
      %swap3A_115 = arith.constant 0 : index
      %swap3A_116 = arith.constant 0 : index
      %swap3A_117 = vector.load %arg8[%swap3A_114, %swap3A_115, %swap3A_116] : memref<1x1x128xf32, #tpu.memory_space<vmem>>, vector<1x1x128xf32>
      tpu.vector_store %arg8[%swap3A_114, %swap3A_115, %swap3A_116], %broadcast_in_dim3A_113 {strides = array<i32>} : memref<1x1x128xf32, #tpu.memory_space<vmem>>, vector<1x1x128xf32>,
    } else {
    }
    %get3A = arith.constant 0 : index
    %get3A_11 = arith.constant 0 : index
    %get3A_12 = arith.constant 0 : index
    %get3A_13 = vector.load %arg3[%get3A, %get3A_11, %get3A_12] : memref<8x1x64xf32, #tpu.memory_space<vmem>>, vector<8x1x64xf32>
    %get3A_14 = arith.constant 0 : index
    %get3A_15 = arith.constant 0 : index
    %get3A_16 = arith.constant 0 : index
    %get3A_17 = vector.load %arg4[%get3A_14, %get3A_15, %get3A_16] : memref<8x1x64xi32, #tpu.memory_space<vmem>>, vector<8x1x64xi32>
    %get3A_18 = arith.constant 0 : index
    %get3A_19 = arith.constant 0 : index
    %get3A_20 = arith.constant 0 : index
    %get3A_21 = vector.load %arg5[%get3A_18, %get3A_19, %get3A_20] : memref<8x1x64xi32, #tpu.memory_space<vmem>>, vector<8x1x64xi32>
    %get3A_22 = arith.constant 0 : index
    %get3A_23 = arith.constant 0 : index
    %get3A_24 = arith.constant 0 : index
    %get3A_25 = vector.load %arg6[%get3A_22, %get3A_23, %get3A_24] : memref<8x64x1xi32, #tpu.memory_space<vmem>>, vector<8x64x1xi32>
    %get3A_26 = arith.constant 0 : index
    %get3A_27 = arith.constant 0 : index
    %get3A_28 = arith.constant 0 : index
    %get3A_29 = vector.load %arg7[%get3A_26, %get3A_27, %get3A_28] : memref<8x64x1xi32, #tpu.memory_space<vmem>>, vector<8x64x1xi32>
    %mul3A = arith.constant 512 : i32
    %mul3A_30 = vector.broadcast %mul3A : i32 to vector<8x1x64xi32>
    %mul3A_31 = arith.muli %get3A_17, %mul3A_30 : vector<8x1x64xi32>
    %add3A_32 = arith.addi %mul3A_31, %get3A_21 : vector<8x1x64xi32>
    %mul3A_33 = arith.constant 512 : i32
    %mul3A_34 = vector.broadcast %mul3A_33 : i32 to vector<8x64x1xi32>
    %mul3A_35 = arith.muli %get3A_25, %mul3A_34 : vector<8x64x1xi32>
    %add3A_36 = arith.addi %mul3A_35, %get3A_29 : vector<8x64x1xi32>
    %eq3A_37 = vector.broadcast %add3A_36 : vector<8x64x1xi32> to vector<8x64x64xi32>
    %eq3A_38 = vector.broadcast %add3A_32 : vector<8x1x64xi32> to vector<8x64x64xi32>
    %eq3A_39 = arith.cmpi eq, %eq3A_37, %eq3A_38 : vector<8x64x64xi32>
    %iota3A = tpu.iota {dimensions = array<i32: 1>} : vector<8x64x64xi32>
    %iota3A_40 = tpu.iota {dimensions = array<i32: 2>} : vector<8x64x64xi32>
    %lt3A_41 = arith.cmpi slt, %iota3A, %iota3A_40 : vector<8x64x64xi32>
    %and3A_42 = arith.andi %eq3A_39, %lt3A_41 : vector<8x64x64xi1>
    %reduce_or3A = arith.constant 1.000000e+00 : f32
    %reduce_or3A_43 = arith.constant 0.000000e+00 : f32
    %reduce_or3A_44 = vector.broadcast %reduce_or3A : f32 to vector<8x64x64xf32>
    %reduce_or3A_45 = vector.broadcast %reduce_or3A_43 : f32 to vector<8x64x64xf32>
    %reduce_or3A_46 = arith.select %and3A_42, %reduce_or3A_44, %reduce_or3A_45 : vector<8x64x64xi1>, vector<8x64x64xf32>
    %reduce_or3A_47 = arith.constant dense<0xFF800000> : vector<8x64xf32>
    %reduce_or3A_48 = vector.multi_reduction <maximumf>, %reduce_or3A_46, %reduce_or3A_47 [1] : vector<8x64x64xf32> to vector<8x64xf32>
    %reduce_or3A_49 = arith.constant 0.000000e+00 : f32
    %reduce_or3A_50 = vector.broadcast %reduce_or3A_49 : f32 to vector<8x64xf32>
    %reduce_or3A_51 = arith.cmpf ogt, %reduce_or3A_48, %reduce_or3A_50 : vector<8x64xf32>
    %broadcast_in_dim3A = vector.shape_cast %reduce_or3A_51 : vector<8x64xi1> to vector<8x1x64xi1>
    %gt3A = arith.constant 0 : i32
    %gt3A_52 = vector.broadcast %gt3A : i32 to vector<8x1x64xi32>
    %gt3A_53 = arith.cmpi sgt, %get3A_17, %gt3A_52 : vector<8x1x64xi32>
    %gt3A_54 = arith.constant 0 : i32
    %gt3A_55 = vector.broadcast %gt3A_54 : i32 to vector<8x1x64xi32>
    %gt3A_56 = arith.cmpi sgt, %get3A_21, %gt3A_55 : vector<8x1x64xi32>
    %and3A_57 = arith.andi %gt3A_53, %gt3A_56 : vector<8x1x64xi1>
    %not3A = arith.constant dense<true> : vector<8x1x64xi1>
    %not3A_58 = arith.xori %broadcast_in_dim3A, %not3A : vector<8x1x64xi1>
    %and3A_59 = arith.andi %and3A_57, %not3A_58 : vector<8x1x64xi1>
    %exp3A = math.exp %get3A_13 : vector<8x1x64xf32>
    %jit3A_60 = arith.constant 0.000000e+00 : f32
    %broadcast_in_dim3A_61 = vector.broadcast %jit3A_60 : f32 to vector<8x1x64xf32>
    %select_n3A_62 = arith.select %and3A_59, %exp3A, %broadcast_in_dim3A_61 : vector<8x1x64xi1>, vector<8x1x64xf32>
    %reduce_sum3A = arith.constant dense<0.000000e+00> : vector<8xf32>
    %reduce_sum3A_63 = vector.multi_reduction <add>, %select_n3A_62, %reduce_sum3A [1, 2] : vector<8x1x64xf32> to vector<8xf32>
    %div3A = arith.constant 1.000000e+00 : f32
    %div3A_64 = vector.broadcast %div3A : f32 to vector<8x1x64xf32>
    %div3A_65 = arith.divf %div3A_64, %exp3A : vector<8x1x64xf32>
    %jit3A_66 = arith.constant 0.000000e+00 : f32
    %broadcast_in_dim3A_67 = vector.broadcast %jit3A_66 : f32 to vector<8x1x64xf32>
    %select_n3A_68 = arith.select %and3A_59, %div3A_65, %broadcast_in_dim3A_67 : vector<8x1x64xi1>, vector<8x1x64xf32>
    %reduce_sum3A_69 = arith.constant dense<0.000000e+00> : vector<8xf32>
    %reduce_sum3A_70 = vector.multi_reduction <add>, %select_n3A_68, %reduce_sum3A_69 [1, 2] : vector<8x1x64xf32> to vector<8xf32>
    %get3A_71 = arith.constant 0 : index
    %get3A_72 = arith.constant 0 : index
    %get3A_73 = arith.constant 0 : index
    %get3A_74 = vector.load %arg1[%get3A_71, %get3A_72, %get3A_73] : memref<8x256x512xf32, #tpu.memory_space<vmem>>, vector<8x256x512xf32>
    %exp3A_75 = math.exp %get3A_74 : vector<8x256x512xf32>
    %reduce_sum3A_76 = arith.constant dense<0.000000e+00> : vector<8xf32>
    %reduce_sum3A_77 = vector.multi_reduction <add>, %exp3A_75, %reduce_sum3A_76 [1, 2] : vector<8x256x512xf32> to vector<8xf32>
    %get3A_78 = arith.constant 0 : index
    %get3A_79 = arith.constant 0 : index
    %get3A_80 = arith.constant 0 : index
    %get3A_81 = vector.load %arg2[%get3A_78, %get3A_79, %get3A_80] : memref<8x256x512xf32, #tpu.memory_space<vmem>>, vector<8x256x512xf32>
    %exp3A_82 = math.exp %get3A_81 : vector<8x256x512xf32>
    %reduce_sum3A_83 = arith.constant dense<0.000000e+00> : vector<8xf32>
    %reduce_sum3A_84 = vector.multi_reduction <add>, %exp3A_82, %reduce_sum3A_83 [1, 2] : vector<8x256x512xf32> to vector<8xf32>
    %add3A_85 = arith.addf %reduce_sum3A_77, %reduce_sum3A_84 : vector<8xf32>
    %sub3A = arith.subf %add3A_85, %reduce_sum3A_63 : vector<8xf32>
    %max3A = arith.constant 0.000000e+00 : f32
    %max3A_86 = vector.broadcast %max3A : f32 to vector<8xf32>
    %max3A_87 = arith.maximumf %sub3A, %max3A_86 : vector<8xf32>
    %add3A_88 = arith.constant 1.000000e+00 : f32
    %add3A_89 = vector.broadcast %add3A_88 : f32 to vector<8xf32>
    %add3A_90 = arith.addf %add3A_89, %max3A_87 : vector<8xf32>
    %log3A = math.log %add3A_90 : vector<8xf32>
    %add3A_91 = arith.constant 1.000000e+00 : f32
    %add3A_92 = vector.broadcast %add3A_91 : f32 to vector<8xf32>
    %add3A_93 = arith.addf %add3A_92, %reduce_sum3A_70 : vector<8xf32>
    %log3A_94 = math.log %add3A_93 : vector<8xf32>
    %add3A_95 = arith.addf %log3A, %log3A_94 : vector<8xf32>
    %reduce_sum3A_96 = vector.shape_cast %add3A_95 : vector<8xf32> to vector<1x8xf32>
    %reduce_sum3A_97 = arith.constant dense<0.000000e+00> : vector<1xf32>
    %reduce_sum3A_98 = vector.multi_reduction <add>, %reduce_sum3A_96, %reduce_sum3A_97 [1] : vector<1x8xf32> to vector<1xf32>
    %reduce_sum3A_99 = vector.shape_cast %reduce_sum3A_98 : vector<1xf32> to vector<1x1xf32>
    %reduce_sum3A_100 = vector.extract %reduce_sum3A_99[0, 0] : f32 from vector<1x1xf32>
    %mul3A_101 = arith.constant 3.125000e-02 : f32
    %mul3A_102 = arith.mulf %reduce_sum3A_100, %mul3A_101 : f32
    %get3A_103 = arith.constant 0 : index
    %get3A_104 = arith.constant 0 : index
    %get3A_105 = arith.constant 0 : index
    %get3A_106 = vector.load %arg8[%get3A_103, %get3A_104, %get3A_105] : memref<1x1x128xf32, #tpu.memory_space<vmem>>, vector<1x1x128xf32>
    %broadcast_in_dim3A_107 = vector.broadcast %mul3A_102 : f32 to vector<1x1x128xf32>
    %add3A_108 = arith.addf %get3A_106, %broadcast_in_dim3A_107 : vector<1x1x128xf32>
    %swap3A = arith.constant 0 : index
    %swap3A_109 = arith.constant 0 : index
    %swap3A_110 = arith.constant 0 : index
    %swap3A_111 = vector.load %arg8[%swap3A, %swap3A_109, %swap3A_110] : memref<1x1x128xf32, #tpu.memory_space<vmem>>, vector<1x1x128xf32>
    tpu.vector_store %arg8[%swap3A, %swap3A_109, %swap3A_110], %add3A_108 {strides = array<i32>} : memref<1x1x128xf32, #tpu.memory_space<vmem>>, vector<1x1x128xf32>,
    return
  }
  func.func @transform_0(%arg0: i32) -> (i32, i32, i32) {
    %c0_i32 = arith.constant 0 : i32
    %c0_i32_0 = arith.constant 0 : i32
    %c0_i32_1 = arith.constant 0 : i32
    return %arg0, %c0_i32, %c0_i32_0 : i32, i32, i32
  }
  func.func @transform_1(%arg0: i32) -> (i32, i32, i32) {
    %c1_i32 = arith.constant 1 : i32
    %c0_i32 = arith.constant 0 : i32
    %c0_i32_0 = arith.constant 0 : i32
    return %arg0, %c1_i32, %c0_i32 : i32, i32, i32
  }
  func.func @transform_2(%arg0: i32) -> (i32, i32, i32) {
    %c0_i32 = arith.constant 0 : i32
    %c0_i32_0 = arith.constant 0 : i32
    %c0_i32_1 = arith.constant 0 : i32
    return %arg0, %c0_i32, %c0_i32_0 : i32, i32, i32
  }
  func.func @transform_3(%arg0: i32) -> (i32, i32, i32) {
    %c0_i32 = arith.constant 0 : i32
    %c0_i32_0 = arith.constant 0 : i32
    %c0_i32_1 = arith.constant 0 : i32
    return %arg0, %c0_i32, %c0_i32_0 : i32, i32, i32
  }
  func.func @transform_4(%arg0: i32) -> (i32, i32, i32) {
    %c0_i32 = arith.constant 0 : i32
    %c0_i32_0 = arith.constant 0 : i32
    %c0_i32_1 = arith.constant 0 : i32
    return %arg0, %c0_i32, %c0_i32_0 : i32, i32, i32
  }
  func.func @transform_5(%arg0: i32) -> (i32, i32, i32) {
    %c0_i32 = arith.constant 0 : i32
    %c0_i32_0 = arith.constant 0 : i32
    %c0_i32_1 = arith.constant 0 : i32
    return %arg0, %c0_i32, %c0_i32_0 : i32, i32, i32
  }
  func.func @transform_6(%arg0: i32) -> (i32, i32, i32) {
    %c0_i32 = arith.constant 0 : i32
    %c0_i32_0 = arith.constant 0 : i32
    %c0_i32_1 = arith.constant 0 : i32
    return %arg0, %c0_i32, %c0_i32_0 : i32, i32, i32
  }
  func.func @transform_7(%arg0: i32) -> (i32, i32, i32) {
    %jit3A = arith.constant 4 : i32
    %div3A = arith.divsi %arg0, %jit3A : i32
    %sign3A = arith.constant 0 : i32
    %sign3A_0 = arith.cmpi sgt, %arg0, %sign3A : i32
    %sign3A_1 = arith.extui %sign3A_0 : i1 to i32
    %sign3A_2 = arith.constant 0 : i32
    %sign3A_3 = arith.cmpi slt, %arg0, %sign3A_2 : i32
    %sign3A_4 = arith.extui %sign3A_3 : i1 to i32
    %sign3A_5 = arith.subi %sign3A_1, %sign3A_4 : i32
    %sign3A_6 = arith.constant 0 : i32
    %sign3A_7 = arith.cmpi sgt, %jit3A, %sign3A_6 : i32
    %sign3A_8 = arith.extui %sign3A_7 : i1 to i32
    %sign3A_9 = arith.constant 0 : i32
    %sign3A_10 = arith.cmpi slt, %jit3A, %sign3A_9 : i32
    %sign3A_11 = arith.extui %sign3A_10 : i1 to i32
    %sign3A_12 = arith.subi %sign3A_8, %sign3A_11 : i32
    %ne3A = arith.cmpi ne, %sign3A_5, %sign3A_12 : i32
    %rem3A = arith.remsi %arg0, %jit3A : i32
    %ne3A_13 = arith.constant 0 : i32
    %ne3A_14 = arith.cmpi ne, %rem3A, %ne3A_13 : i32
    %and3A = arith.andi %ne3A, %ne3A_14 : i1
    %sub3A = arith.constant 1 : i32
    %sub3A_15 = arith.subi %div3A, %sub3A : i32
    %select_n3A = arith.select %and3A, %sub3A_15, %div3A : i32
    %c0_i32 = arith.constant 0 : i32
    %c0_i32_16 = arith.constant 0 : i32
    %c0_i32_17 = arith.constant 0 : i32
    return %select_n3A, %c0_i32, %c0_i32_16 : i32, i32, i32
  }
}

</mosaic_0001>

<sc_bundles>
// kernel: kernel.4.cloned.1.call-start
scs
__scs_entry_jumppad:
0x0: {  	(pc) =	sbr.rel $0x88, $3  }
0x1: {  	(tag) =	ssettag $0x0;
	lr =	simm.s32 $0x1  }
0x2: {  	[smem:$0x3F9F] =	sst lr;
	_ =	strace $0xD0000000  }
0x3: {  	_ = 	snop  }
0x4: {  	_ = 	snop  }
0x5: {  	_ = 	snop  }
0x6: {  	_ = 	snop  }
0x7: {  	_ = 	snop  }
__scs_overlays_trampoline_lowered:
0x8: {  	[smem:$0x3FAE] =	sst s0  }
0x9: {  	[smem:$0x3FAF] =	sst s1  }
0xa: {  	[smem:$0x3FB0] =	sst s2  }
0xb: {  	[smem:$0x3FB1] =	sst s3  }
0xc: {  	[smem:$0x3FB2] =	sst s4  }
0xd: {  	[smem:$0x3FB3] =	sst s5  }
0xe: {  	[smem:$0x3FB4] =	sst s6  }
0xf: {  	[smem:$0x3FB5] =	sst s7  }
0x10: {  	[smem:$0x3FB6] =	sst s8  }
0x11: {  	[smem:$0x3FB7] =	sst s9;
	s0 =	simm.s32 @!p0 $0x0  }
0x12: {  	s1 =	sld [smem:$0x3F9D];
	s0 =	simm.s32 @p0 $0x1  }
0x13: {  	[smem:$0x3FB8] =	sst s0;
	s0 =	simm.s32 @!p1 $0x0  }
0x14: {  	s2 =	sld [smem:$0x3F9C];
	s0 =	simm.s32 @p1 $0x1  }
0x15: {  	[smem:$0x3FB9] =	sst s0;
	s0 =	simm.s32 @!p2 $0x0  }
0x16: {  	s3 =	sld [smem:$0x3FDB];
	s0 =	simm.s32 @p2 $0x1  }
0x17: {  	s4 =	simm.s32 $0x1BF5;
	[smem:$0x3FBB] =	sst s0  }
0x18: {  	s0 =	sld [smem:$0x3F9E];
	_ =	swait.ge [sflag:s4], $0x0  }
0x19: {  	s7 =	sld [smem:$0x3F9F]  }
0x1a: {  	s8 =	sadd.s32 $0xFFFFE003, lr  }
0x1b: {  	s9 =	sadd.s32 $0xFFFFFEF7, lr;
	s5 =	simm.s32 $0xFFFFFFFF;
	p2 =	slt.u32 s8, $0xFFFFF086  }
0x1c: {  	p1 =	slt.u32 s9, $0xF7A;
	s5 =	simm.s32 @!p2 $0x0  }
0x1d: {  	s5 =	simm.s32 @p1 $0x1;
	p0 =	seq.s32 s7, s2  }
0x1e: {  	s7 =	smul.u32 @!p0 $0xF7A, s2;
	p2 =	seq.s32 @!p0 s5, $0x0  }
0x1f: {  	s9 =	smul.u32 $0xF7A, s1;
	s8 =	simm.s32 @!p0 $0x1BF5;
	p2 =	por !p2, p0  }
0x20: {  	[sflag:s8] =	ssyncset.s32 @!p0 $0xFFFFF086;
	s6 =	sadd.s32 @!p0 s3, s7;
	s7 =	simm.s32 @!p0 $0x108  }
0x21: {  	s3 =	sadd.s32 s3, s9;
	s6 =	sadd.s32 @!p0 $0x88, s6;
	s7 =	simm.s32 @p2 $0x1082  }
0x22: {  	[simem:s7], [sflag:s8] =	dma.local @!p0 [hbm:s6], $0xF7A  }
0x23: {  	s9 =	sor.u32 $0xD0000000, s2;
	s6 =	simm.s32 $0x108;
	_ =	swait.ge @!p0 [sflag:s8], $0x0  }
0x24: {  	s3 =	sadd.s32 $0x88, s3;
	s6 =	simm.s32 @!p1 $0x1082;
	[sflag:s4] =	ssyncset.s32 $0xFFFFF086  }
0x25: {  	[simem:s6], [sflag:s4] =	dma.local [hbm:s3], $0xF7A  }
0x26: {  	[smem:$0x3F9F] =	sst s1;
	(tag) =	ssettag s2;
	_ =	strace s9  }
0x27: {  	s1 =	sld [smem:$0x3FAF]  }
0x28: {  	s2 =	sld [smem:$0x3FB0]  }
0x29: {  	s4 =	sld [smem:$0x3FB2]  }
0x2a: {  	p0 =	seq.s32 s5, $0x0;
	s5 =	sld [smem:$0x3FB3]  }
0x2b: {  	s6 =	sld [smem:$0x3FB4]  }
0x2c: {  	s7 =	sld [smem:$0x3FB5]  }
0x2d: {  	s3 =	simm.s32 $0x108;
	s8 =	sld [smem:$0x3FB6]  }
0x2e: {  	s3 =	simm.s32 @!p0 $0x1082;
	s9 =	sld [smem:$0x3FB7]  }
0x2f: {  	lr =	sadd.s32 s0, s3;
	s0 =	sld [smem:$0x3FAE]  }
0x30: {  	s3 =	sld [smem:$0x3FB1]  }
0x31: {  	[smem:$0x3FBA] =	sst s10  }
0x32: {  	s10 =	sld [smem:$0x3FB8];
	_ =	sdelay $0x3  }
0x33: {  	p0 =	seq.s32 s10, $0x1;
	s10 =	sld [smem:$0x3FBA];
	_ =	sdelay $0x3  }
0x34: {  	[smem:$0x3FBA] =	sst s10  }
0x35: {  	s10 =	sld [smem:$0x3FB9];
	_ =	sdelay $0x3  }
0x36: {  	p1 =	seq.s32 s10, $0x1;
	s10 =	sld [smem:$0x3FBA];
	_ =	sdelay $0x3  }
0x37: {  	[smem:$0x3FBA] =	sst s10  }
0x38: {  	s10 =	sld [smem:$0x3FBB]  }
0x39: {  	_ = 	snop;
	(pc) =	sbr.ind lr, $3  }
0x3a: {  	_ = 	snop  }
0x3b: {  	_ = 	snop  }
0x3c: {  	p2 =	seq.s32 s10, $0x1;
	s10 =	sld [smem:$0x3FBA]  }
0x3d: {  	_ =	shalt  }
0x3e: {  	_ =	shalt  }
0x3f: {  	_ =	shalt  }
0x40: {  	_ =	shalt  }
0x41: {  	_ =	shalt  }
0x42: {  	_ =	shalt  }
0x43: {  	_ =	shalt  }
0x44: {  	_ =	shalt  }
0x45: {  	_ =	shalt  }
0x46: {  	_ =	shalt  }
0x47: {  	_ =	shalt  }
0x48: {  	_ =	shalt  }
0x49: {  	_ =	shalt  }
0x4a: {  	_ =	shalt  }
0x4b: {  	_ =	shalt  }
0x4c: {  	_ =	shalt  }
0x4d: {  	_ =	shalt  }
0x4e: {  	_ =	shalt  }
0x4f: {  	_ =	shalt  }
0x50: {  	_ =	shalt  }
0x51: {  	_ =	shalt  }
0x52: {  	_ =	shalt  }
0x53: {  	_ =	shalt  }
0x54: {  	_ =	shalt  }
0x55: {  	_ =	shalt  }
0x56: {  	_ =	shalt  }
0x57: {  	_ =	shalt  }
0x58: {  	_ =	shalt  }
0x59: {  	_ =	shalt  }
0x5a: {  	_ =	shalt  }
0x5b: {  	_ =	shalt  }
0x5c: {  	_ =	shalt  }
0x5d: {  	_ =	shalt  }
0x5e: {  	_ =	shalt  }
0x5f: {  	_ =	shalt  }
0x60: {  	_ =	shalt  }
0x61: {  	_ =	shalt  }
0x62: {  	_ =	shalt  }
0x63: {  	_ =	shalt  }
0x64: {  	_ =	shalt  }
0x65: {  	_ =	shalt  }
0x66: {  	_ =	shalt  }
0x67: {  	_ =	shalt  }
0x68: {  	_ =	shalt  }
0x69: {  	_ =	shalt  }
0x6a: {  	_ =	shalt  }
0x6b: {  	_ =	shalt  }
0x6c: {  	_ =	shalt  }
0x6d: {  	_ =	shalt  }
0x6e: {  	_ =	shalt  }
0x6f: {  	_ =	shalt  }
0x70: {  	_ =	shalt  }
0x71: {  	_ =	shalt  }
0x72: {  	_ =	shalt  }
0x73: {  	_ =	shalt  }
0x74: {  	_ =	shalt  }
0x75: {  	_ =	shalt  }
0x76: {  	_ =	shalt  }
0x77: {  	_ =	shalt  }
0x78: {  	_ =	shalt  }
0x79: {  	_ =	shalt  }
0x7a: {  	_ =	shalt  }
0x7b: {  	_ =	shalt  }
0x7c: {  	_ =	shalt  }
0x7d: {  	_ =	shalt  }
0x7e: {  	_ =	shalt  }
0x7f: {  	_ =	shalt  }
0x80: {  	_ =	shalt  }
0x81: {  	_ =	shalt  }
0x82: {  	_ =	shalt  }
0x83: {  	_ =	shalt  }
0x84: {  	_ =	shalt  }
0x85: {  	_ =	shalt  }
0x86: {  	_ =	shalt  }
0x87: {  	_ =	shalt  }
.Lfunc_end0:
.L_simem_size_0:
called_computation_lowered:
.L_overlay_start_0:
0x88: {  	s2 =	sld [smem:$0x3FD9]  }
0x89: {  	s3 =	sld [smem:$0x3FFE];
	_ =	sdelay $0x1  }
0x8a: {  	s1 =	srdreg.scid  }
0x8b: {  	s0 =	sand.u32 $0x1, s1  }
0x8c: {  	s17 =	sshll.u32 s0, $0xA;
	s2 =	sadd.s32 s3, s2  }
0x8d: {  	s2 =	sadd.s32 s2, s17  }
0x8e: {  	[smem:$0x3FC6] =	sst s2  }
0x8f: {  	_ = 	snop  }
0x90: {  	s2 =	sld [smem:$0x3FC9];
	(tm) =	ssettm $0x1  }
0x91: {  	s18 =	sld [smem:$0x3FFB];
	_ =	sdelay $0x3  }
0x92: {  	_ =	strace s18  }
0x93: {  	s3 =	sld [smem:$0x3FFC];
	_ =	sdelay $0x3  }
0x94: {  	_ =	strace s3  }
0x95: {  	s3 =	sld [smem:$0x3FFD];
	_ =	sdelay $0x3  }
0x96: {  	_ =	strace s3  }
0x97: {  	_ =	strace $0x8FFFFFFF  }
0x98: {  	s19 =	sld [smem:$0x3FDB];
	_ =	sdelay $0x1  }
0x99: {  	s4 =	simm.s32 $_scs_section_size  }
0x9a: {  	s5 =	simm.s32 $_size__tile_overlayer_lowered;
	s6 =	simm.s32 $_tile_overlayer_lowered  }
0x9b: {  	s22 =	simm.s32 $0x1BFF;
	s21 =	sshll.u32 s6, $0x1;
	s3 =	sadd.s32 s4, s19  }
0x9c: {  	s7 =	simm.s32 $0x0;
	s20 =	sshll.u32 s5, $0x1;
	s5 =	sadd.s32 s21, s3  }
0x9d: {  	[timem:s7], [sflag:s22] =	dma.local [hbm:s5], s20  }
0x9e: {  	_ =	swait.ge [sflag:s22], s20  }
0x9f: {  	s4 =	ssub.s32 $0x0, s20;
	[sflag:s22] =	ssyncset.done $0x0  }
0xa0: {  	[sflag:s22] =	ssyncadd.s32 s4;
	_ =	sdelay $0x1  }
0xa1: {  	s23 =	simm.s32 $0x1B8B  }
0xa2: {  	_ =	swait.ge [sflag:s23], $0x1  }
0xa3: {  	[sflag:s23] =	ssyncset.done $0x0  }
0xa4: {  	s25 =	simm.s32 $0x1B8E;
	s24 =	sld [smem:$0x3FFE];
	[sflag:s23] =	ssyncadd.s32 $0xFFFFFFFF  }
0xa5: {  	s26 =	simm.s32 $execute0_lowered;
	[smem:$0x3FD2] =	sst s25  }
0xa6: {  	s5 =	sshll.u32 s26, $0x1;
	_ =	strace $0x80000046;
	[dreg:$0x1] =	wrdreg $0xFFFFFFFF  }
0xa7: {  	s28 =	simm.s32 $_size_execute0_lowered;
	s3 =	sadd.s32 s3, s5;
	[dreg:$0x0] =	wrdreg $0x0  }
0xa8: {  	s5 =	sshll.u32 s28, $0x1;
	[dreg:$0x2] =	wrdreg s3  }
0xa9: {  	[dreg:$0x3] =	wrdreg s5  }
0xaa: {  	[dreg:$0x4] =	wrdreg $0xC0  }
0xab: {  	_ =	task [dreg:s7], $0x5FFFF  }
0xac: {  	[dreg:$0x1] =	wrdreg $0xFFFFFFFF  }
0xad: {  	[dreg:$0x0] =	wrdreg $0x60  }
0xae: {  	[dreg:$0x2] =	wrdreg s2  }
0xaf: {  	[dreg:$0x3] =	wrdreg s24  }
0xb0: {  	[dreg:$0x4] =	wrdreg $0x9  }
0xb1: {  	_ =	task.clear_ibuf [dreg:s7], $0x5FFFF;
	_ =	strace $0x90000046  }
0xb2: {  	s29 =	simm.s32 $0x9;
	_ =	strace $0x80000048  }
0xb3: {  	_ =	swait.ge [sflag:s29], $0x1  }
0xb4: {  	[sflag:s29] =	ssyncadd.s32 $0xFFFFFFFF  }
0xb5: {  	_ =	strace $0x90000048  }
0xb6: {  	_ =	sfence  }
0xb7: {  	s30 =	sld [smem:$0x0];
	_ =	sdelay $0x2  }
0xb8: {  	s31 =	sshll.u32 s1, $0xD;
	s1 =	sshrl.u32 s1, $0x2  }
0xb9: {  	s3 =	sand.u32 $0x4000, s31;
	s1 =	sadd.s32 s1, s30  }
0xba: {  	s0 =	sor.u32 s3, s0;
	s1 =	sshll.u32 s1, $0x11  }
0xbb: {  	s0 =	sor.u32 s1, s0  }
0xbc: {  	s0 =	sadd.s32 $0x8F2B, s0  }
0xbd: {  	[sflag:s0] =	ssyncadd.remote.s32 $0x1  }
0xbe: {  	_ =	sfence.sel $0xFFFF  }
0xbf: {  	[dreg:$0x0] =	wrdreg $0xFFFFFFFF;
	(pc) =	sbr.abs _section_cstart, $3  }
0xc0: {  	[dreg:$0x1] =	wrdreg $0xFFFFFFFF  }
0xc1: {  	_ =	task.clear_ibuf [dreg:s7], $0x2FFFF;
	_ =	strace $0x9FFFFFFF  }
0xc2: {  	(tm) =	ssettm $0x7FFFFFFF  }
0xc3: {  	_ =	shalt  }
tec
execute0_lowered:
.L_overlay_start_1:
0x0: {  	(tag) =	ssettag $0x1  }
0x1: {  	v0 =	vimm.s32 $0x1380;
	vm15 =	vcmask $0x300;
	vm14 =	vcmask $0x704  }
0x2: {  	vm13 =	vcmask $0xB08;
	vm12 =	vcmask $0xF0C;
	v0 =	vsel vm15, $0x0, v0  }
0x3: {  	vm11 =	vcmask $0x1310;
	vm10 =	vcmask $0x1714;
	v0 =	vsel vm14, $0x80, v0  }
0x4: {  	vm9 =	vcmask $0x1B18;
	vm8 =	vcmask $0x1F1C;
	v0 =	vsel vm13, $0x100, v0  }
0x5: {  	vm7 =	vcmask $0x2320;
	vm5 =	vcmask $0x2724;
	v0 =	vsel vm12, $0x180, v0  }
0x6: {  	vm6 =	vcmask $0x2B28;
	v7 =	vlaneseq.u32;
	v1 =	vsel vm11, $0x200, v0  }
0x7: {  	vm4 =	vcmask $0x2F2C;
	vm2 =	vcmask $0x3330;
	v2 =	vsel vm10, $0x280, v1  }
0x8: {  	vm3 =	vcmask $0x3734;
	vm1 =	vcmask $0x3B38;
	v3 =	vsel vm9, $0x300, v2  }
0x9: {  	vm0 =	vmmov $0xffff;
	v10 =	vimm.s32 $0x5380;
	v4 =	vsel vm8, $0x380, v3  }
0xa: {  	v11 =	vimm.s32 $0x7380;
	v8 =	vshrl.u32 v7, $0x3;
	v5 =	vsel vm7, $0x1000, v4  }
0xb: {  	s0 =	srdreg.scid;
	s1 =	stileid.u32;
	v10 =	vsel vm15, $0x4000, v10;
	v11 =	vsel vm15, $0x6000, v11;
	v5 =	vsel vm5, $0x1080, v5  }
0xc: {  	s0 =	sand.u32 $0x1, s0;
	s1 =	sshll.u32 s1, $0x1;
	v10 =	vsel vm14, $0x4080, v10;
	v11 =	vsel vm14, $0x6080, v11;
	v6 =	vsel vm6, $0x1100, v5  }
0xd: {  	s2 =	sor.u32 s0, s1;
	v10 =	vsel vm13, $0x4100, v10;
	v11 =	vsel vm13, $0x6100, v11;
	v6 =	vsel vm4, $0x1180, v6  }
0xe: {  	s1 =	smul.u32 $0xA00, s2;
	v10 =	vsel vm12, $0x4180, v10;
	v11 =	vsel vm12, $0x6180, v11;
	v9 =	vsel vm2, $0x1200, v6  }
0xf: {  	v6 =	vmul.u32 $0x8, v8;
	v8 =	vsel vm3, $0x1280, v9;
	v9 =	vimm.s32 $0x3380  }
0x10: {  	s4 =	rddreg [dreg:$0x1];
	v0 =	vmov s1;
	s3 =	sadd.s32 $0x200, s1;
	v10 =	vsel vm11, $0x4200, v10;
	v9 =	vsel vm15, $0x2000, v9  }
0x11: {  	s15 =	simm.s32 $0x2;
	s25 =	simm.s32 $0x180;
	s8 =	simm.s32 $0xB00;
	v11 =	vsel vm11, $0x6200, v11;
	v1 =	vmov s3;
	v9 =	vsel vm14, $0x2080, v9  }
0x12: {  	s26 =	simm.s32 $0x700;
	s28 =	simm.s32 $0xB300;
	s21 =	sadd.s32 $0x400, s1;
	v10 =	vsel vm10, $0x4280, v10;
	v11 =	vsel vm10, $0x6280, v11;
	v9 =	vsel vm13, $0x2100, v9  }
0x13: {  	s29 =	simm.s32 $0xBB00;
	s30 =	simm.s32 $0xC300;
	s22 =	sadd.s32 $0x600, s1;
	v2 =	vmov s21;
	v10 =	vsel vm9, $0x4300, v10;
	v9 =	vsel vm12, $0x2180, v9  }
0x14: {  	s31 =	simm.s32 $0xCB00;
	s9 =	simm.s32 $0xD300;
	s7 =	simm.s32 $0xDB00;
	v11 =	vsel vm9, $0x6300, v11;
	v3 =	vmov s22;
	v9 =	vsel vm11, $0x2200, v9  }
0x15: {  	s10 =	simm.s32 $0xE300;
	s11 =	simm.s32 $0xEB00;
	s1 =	sadd.s32 $0x800, s1;
	v10 =	vsel vm8, $0x4380, v10;
	v11 =	vsel vm8, $0x6380, v11;
	v9 =	vsel vm10, $0x2280, v9  }
0x16: {  	s12 =	simm.s32 $0xF300;
	s5 =	smul.u32 $0x30, s2;
	s3 =	simm.s32 $0x0;
	v4 =	vmov s1;
	v10 =	vsel vm7, $0x5000, v10;
	v9 =	vsel vm9, $0x2300, v9  }
0x17: {  	s13 =	simm.s32 $0xFB00;
	s2 =	sshll.u32 s2, $0x7;
	[smem:$0x7FF] =	sst s3;
	v11 =	vsel vm7, $0x7000, v11;
	v10 =	vsel vm5, $0x5080, v10;
	v9 =	vsel vm8, $0x2380, v9  }
0x18: {  	s2 =	sadd.s32 s2, s4;
	s5 =	sadd.s32 s4, s5;
	s1 =	rddreg [dreg:$0x0];
	v11 =	vsel vm5, $0x7080, v11;
	v5 =	vand.u32 $0x7, v7;
	v9 =	vsel vm7, $0x3000, v9  }
0x19: {  	s23 =	sadd.s32 $0x600, s5;
	_ =	strace $0x80000047;
	[dreg:$0x7] =	wrdreg s5;
	v7 =	vor.u32 $0x8, v7;
	v10 =	vsel vm6, $0x5100, v10;
	v9 =	vsel vm5, $0x3080, v9  }
0x1a: {  	s0 =	ssub.s32 $0x2, s0;
	s2 =	sadd.s32 $0xC00, s2;
	[dreg:$0x3] =	wrdreg s23;
	v11 =	vsel vm6, $0x7100, v11;
	v10 =	vsel vm4, $0x5180, v10;
	v9 =	vsel vm6, $0x3100, v9  }
0x1b: {  	s14 =	simm.s32 $0x10300;
	s24 =	sshrl.u32 s0, $0x1;
	[dreg:$0x4] =	wrdreg s2;
	v11 =	vsel vm4, $0x7180, v11;
	v10 =	vsel vm2, $0x5200, v10;
	v9 =	vsel vm4, $0x3180, v9  }
0x1c: {  	s0 =	ssub.s32 s0, s24;
	s24 =	simm.s32 $0x8B00;
	[dreg:$0x5] =	wrdreg s25;
	v11 =	vsel vm2, $0x7200, v11;
	v10 =	vsel vm3, $0x5280, v10;
	v9 =	vsel vm2, $0x3200, v9  }
0x1d: {  	s6 =	smax.u32 s0, $0x1;
	[dreg:$0x6] =	wrdreg s26;
	s2 =	simm.s32 $0x1;
	v11 =	vsel vm3, $0x7280, v11;
	v8 =	vsel vm1, $0x1300, v8;
	v9 =	vsel vm3, $0x3280, v9  }
0x1e: {  	s25 =	simm.s32 $0xA300;
	s26 =	simm.s32 $0xAB00;
	s5 =	sadd.s32 $0x100, s1;
	v10 =	vsel vm1, $0x5300, v10;
	v11 =	vsel vm1, $0x7300, v11;
	v9 =	vsel vm1, $0x3300, v9  }
.LBB2_1:
0x1f: {  	s0 =	rddreg [dreg:$0x3]  }
0x20: {  	[tilespmem:s3], [sflag:$0x2] =	stream.linear.gather [hbm4b:s0+s3], $0x180, $0x38;
	[tilespmem:$0x10B00] =	vst v63  }
0x21: {  	_ =	swait.ge [sflag:s15], $0x180  }
0x22: {  	s16 =	rddreg [dreg:$0x5];
	[sflag:s15] =	ssyncset.done $0x0  }
0x23: {  	s4 =	rddreg [dreg:$0x7];
	[sflag:s15] =	ssyncadd.s32 $0xFFFFFE80  }
0x24: {  	[tilespmem:s16], [sflag:$0x2] =	stream.linear.gather [hbm4b:s4+s3], $0x180, $0x38;
	[tilespmem:$0x10B00] =	vst v63  }
0x25: {  	_ =	swait.ge [sflag:s15], $0x180  }
0x26: {  	[sflag:s15] =	ssyncset.done $0x0  }
0x27: {  	[sflag:s15] =	ssyncadd.s32 $0xFFFFFE80  }
0x28: {  	v12 =	vld [tilespmem:$0x0]  }
0x29: {  	v13 =	vld [tilespmem:$0x10]  }
0x2a: {  	v14 =	vld [tilespmem:$0x20]  }
0x2b: {  	v15 =	vld [tilespmem:$0x30]  }
0x2c: {  	v16 =	vld [tilespmem:$0x40]  }
0x2d: {  	v18 =	vld [tilespmem:$0x50];
	v17 =	vadd.s32 v0, v12  }
0x2e: {  	v19 =	vld [tilespmem:$0x60];
	v13 =	vadd.s32 v0, v13;
	[tilespmem:$0x300] =	vst v17  }
0x2f: {  	v43 =	vld [tilespmem:$0x70];
	v42 =	vadd.s32 v0, v14;
	[tilespmem:$0x310] =	vst v13  }
0x30: {  	v45 =	vld [tilespmem:$0x80];
	v44 =	vadd.s32 v0, v15;
	[tilespmem:$0x320] =	vst v42  }
0x31: {  	v47 =	vld [tilespmem:$0x90];
	v46 =	vadd.s32 v1, v16;
	[tilespmem:$0x330] =	vst v44  }
0x32: {  	v49 =	vld [tilespmem:$0xA0];
	v48 =	vadd.s32 v1, v18;
	[tilespmem:$0x380] =	vst v46  }
0x33: {  	v51 =	vld [tilespmem:$0xB0];
	v50 =	vadd.s32 v1, v19;
	[tilespmem:$0x390] =	vst v48  }
0x34: {  	v53 =	vld [tilespmem:$0xC0];
	v52 =	vadd.s32 v1, v43;
	[tilespmem:$0x3A0] =	vst v50  }
0x35: {  	v55 =	vld [tilespmem:$0xD0];
	v54 =	vadd.s32 v2, v45;
	[tilespmem:$0x3B0] =	vst v52  }
0x36: {  	v57 =	vld [tilespmem:$0xE0];
	v56 =	vadd.s32 v2, v47;
	[tilespmem:$0x400] =	vst v54  }
0x37: {  	v59 =	vld [tilespmem:$0xF0];
	v58 =	vadd.s32 v2, v49;
	[tilespmem:$0x410] =	vst v56  }
0x38: {  	v61 =	vld [tilespmem:$0x100];
	v60 =	vadd.s32 v2, v51;
	[tilespmem:$0x420] =	vst v58;
	v17 =	vshll.u32 v17, $0x2  }
0x39: {  	v63 =	vld [tilespmem:$0x110];
	v62 =	vadd.s32 v3, v53;
	v12 =	vand.u32 $0x7, v12;
	[tilespmem:$0x430] =	vst v60;
	v17 =	vand.u32 $0xFFFFFFE0, v17  }
0x3a: {  	v21 =	vld [tilespmem:$0x120];
	v20 =	vadd.s32 v3, v55;
	[tilespmem:$0x480] =	vst v62;
	v12 =	vor.u32 v12, v17  }
0x3b: {  	v23 =	vld [tilespmem:$0x130];
	v22 =	vadd.s32 v3, v57;
	[tilespmem:$0x490] =	vst v20;
	v17 =	vperm.xlane v12, v5  }
0x3c: {  	v24 =	vadd.s32 v3, v59;
	[tilespmem:$0x4A0] =	vst v22  }
0x3d: {  	v25 =	vadd.s32 v4, v61;
	[tilespmem:$0x4B0] =	vst v24;
	v17 =	vadd.s32 v6, v17  }
0x3e: {  	v26 =	vadd.s32 v4, v63;
	[tilespmem:$0x500] =	vst v25  }
0x3f: {  	v27 =	vadd.s32 v4, v21;
	[tilespmem:$0x510] =	vst v26;
	v12 =	vperm.xlane v12, v7  }
0x40: {  	v28 =	vadd.s32 v4, v23;
	[tilespmem:$0x520] =	vst v27  }
0x41: {  	[tilespmem:$0x530] =	vst v28;
	v12 =	vadd.s32 v6, v12  }
0x42: {  	[tilespmem:s8], [sflag:$0x1] =	stream.indirect_vreg.gather [hbm4b:s1+s3], $0x80, v17, vm0, $0xb8;
	[tilespmem:$0x10B00] =	vst v63  }
0x43: {  	s17 =	simm.s32 $0x1300  }
0x44: {  	[tilespmem:s17], [sflag:$0x1] =	stream.indirect_vreg.gather [hbm4b:s5+s3], $0x80, v17, vm0, $0xb8;
	[tilespmem:$0x10B00] =	vst v63  }
0x45: {  	s18 =	simm.s32 $0x1B00  }
0x46: {  	[tilespmem:s18], [sflag:$0x1] =	stream.indirect_vreg.gather [hbm4b:s1+s3], $0x80, v12, vm0, $0xb8;
	[tilespmem:$0x10B00] =	vst v63  }
0x47: {  	s19 =	simm.s32 $0x2300  }
0x48: {  	[tilespmem:s19], [sflag:$0x1] =	stream.indirect_vreg.gather [hbm4b:s5+s3], $0x80, v12, vm0, $0xb8;
	[tilespmem:$0x10B00] =	vst v63  }
0x49: {  	v12 =	vld [tilespmem:$0x310];
	_ =	sdelay $0x4  }
0x4a: {  	v29 =	vshll.u32 v12, $0x2  }
0x4b: {  	v12 =	vand.u32 $0x7, v12;
	v13 =	vand.u32 $0xFFFFFFE0, v29  }
0x4c: {  	v12 =	vor.u32 v12, v13  }
0x4d: {  	v13 =	vperm.xlane v12, v5;
	_ =	sdelay $0x1  }
0x4e: {  	v13 =	vadd.s32 v6, v13;
	_ =	sdelay $0x1  }
0x4f: {  	v12 =	vperm.xlane v12, v7;
	_ =	sdelay $0x1  }
0x50: {  	s20 =	simm.s32 $0x2B00;
	v12 =	vadd.s32 v6, v12  }
0x51: {  	[tilespmem:s20], [sflag:$0x1] =	stream.indirect_vreg.gather [hbm4b:s1+s3], $0x80, v13, vm0, $0xb8;
	[tilespmem:$0x10B00] =	vst v63  }
0x52: {  	s21 =	simm.s32 $0x3300  }
0x53: {  	[tilespmem:s21], [sflag:$0x1] =	stream.indirect_vreg.gather [hbm4b:s5+s3], $0x80, v13, vm0, $0xb8;
	[tilespmem:$0x10B00] =	vst v63  }
0x54: {  	s22 =	simm.s32 $0x3B00  }
0x55: {  	[tilespmem:s22], [sflag:$0x1] =	stream.indirect_vreg.gather [hbm4b:s1+s3], $0x80, v12, vm0, $0xb8;
	[tilespmem:$0x10B00] =	vst v63  }
0x56: {  	s23 =	simm.s32 $0x4300  }
0x57: {  	[tilespmem:s23], [sflag:$0x1] =	stream.indirect_vreg.gather [hbm4b:s5+s3], $0x80, v12, vm0, $0xb8;
	[tilespmem:$0x10B00] =	vst v63  }
0x58: {  	v12 =	vld [tilespmem:$0x320];
	_ =	sdelay $0x4  }
0x59: {  	v30 =	vshll.u32 v12, $0x2  }
0x5a: {  	v12 =	vand.u32 $0x7, v12;
	v13 =	vand.u32 $0xFFFFFFE0, v30  }
0x5b: {  	v12 =	vor.u32 v12, v13  }
0x5c: {  	v13 =	vperm.xlane v12, v5;
	_ =	sdelay $0x1  }
0x5d: {  	v13 =	vadd.s32 v6, v13;
	_ =	sdelay $0x1  }
0x5e: {  	v12 =	vperm.xlane v12, v7;
	_ =	sdelay $0x1  }
0x5f: {  	s4 =	simm.s32 $0x4B00;
	v12 =	vadd.s32 v6, v12  }
0x60: {  	[tilespmem:s4], [sflag:$0x1] =	stream.indirect_vreg.gather [hbm4b:s1+s3], $0x80, v13, vm0, $0xb8;
	[tilespmem:$0x10B00] =	vst v63  }
0x61: {  	s17 =	simm.s32 $0x5300  }
0x62: {  	[tilespmem:s17], [sflag:$0x1] =	stream.indirect_vreg.gather [hbm4b:s5+s3], $0x80, v13, vm0, $0xb8;
	[tilespmem:$0x10B00] =	vst v63  }
0x63: {  	s18 =	simm.s32 $0x5B00  }
0x64: {  	[tilespmem:s18], [sflag:$0x1] =	stream.indirect_vreg.gather [hbm4b:s1+s3], $0x80, v12, vm0, $0xb8;
	[tilespmem:$0x10B00] =	vst v63  }
0x65: {  	s20 =	simm.s32 $0x6300  }
0x66: {  	[tilespmem:s20], [sflag:$0x1] =	stream.indirect_vreg.gather [hbm4b:s5+s3], $0x80, v12, vm0, $0xb8;
	[tilespmem:$0x10B00] =	vst v63  }
0x67: {  	v12 =	vld [tilespmem:$0x330];
	_ =	sdelay $0x4  }
0x68: {  	v31 =	vshll.u32 v12, $0x2  }
0x69: {  	v12 =	vand.u32 $0x7, v12;
	v13 =	vand.u32 $0xFFFFFFE0, v31  }
0x6a: {  	v12 =	vor.u32 v12, v13  }
0x6b: {  	v13 =	vperm.xlane v12, v5;
	_ =	sdelay $0x1  }
0x6c: {  	v13 =	vadd.s32 v6, v13;
	_ =	sdelay $0x1  }
0x6d: {  	v12 =	vperm.xlane v12, v7;
	_ =	sdelay $0x1  }
0x6e: {  	s4 =	simm.s32 $0x6B00;
	v12 =	vadd.s32 v6, v12  }
0x6f: {  	[tilespmem:s4], [sflag:$0x1] =	stream.indirect_vreg.gather [hbm4b:s1+s3], $0x80, v13, vm0, $0xb8;
	[tilespmem:$0x10B00] =	vst v63  }
0x70: {  	s17 =	simm.s32 $0x7300  }
0x71: {  	[tilespmem:s17], [sflag:$0x1] =	stream.indirect_vreg.gather [hbm4b:s5+s3], $0x80, v13, vm0, $0xb8;
	[tilespmem:$0x10B00] =	vst v63  }
0x72: {  	s18 =	simm.s32 $0x7B00  }
0x73: {  	[tilespmem:s18], [sflag:$0x1] =	stream.indirect_vreg.gather [hbm4b:s1+s3], $0x80, v12, vm0, $0xb8;
	[tilespmem:$0x10B00] =	vst v63  }
0x74: {  	s4 =	simm.s32 $0x8300  }
0x75: {  	[tilespmem:s4], [sflag:$0x1] =	stream.indirect_vreg.gather [hbm4b:s5+s3], $0x80, v12, vm0, $0xb8;
	[tilespmem:$0x10B00] =	vst v63  }
0x76: {  	v12 =	vld [tilespmem:$0x380];
	_ =	sdelay $0x4  }
0x77: {  	v32 =	vshll.u32 v12, $0x2  }
0x78: {  	v12 =	vand.u32 $0x7, v12;
	v13 =	vand.u32 $0xFFFFFFE0, v32  }
0x79: {  	v12 =	vor.u32 v12, v13  }
0x7a: {  	v13 =	vperm.xlane v12, v5;
	_ =	sdelay $0x1  }
0x7b: {  	v13 =	vadd.s32 v6, v13;
	_ =	sdelay $0x1  }
0x7c: {  	v12 =	vperm.xlane v12, v7;
	_ =	sdelay $0x1  }
0x7d: {  	v12 =	vadd.s32 v6, v12  }
0x7e: {  	[tilespmem:s24], [sflag:$0x1] =	stream.indirect_vreg.gather [hbm4b:s1+s3], $0x80, v13, vm0, $0xb8;
	[tilespmem:$0x10B00] =	vst v63  }
0x7f: {  	s0 =	simm.s32 $0x9300  }
0x80: {  	[tilespmem:s0], [sflag:$0x1] =	stream.indirect_vreg.gather [hbm4b:s5+s3], $0x80, v13, vm0, $0xb8;
	[tilespmem:$0x10B00] =	vst v63  }
0x81: {  	s4 =	simm.s32 $0x9B00  }
0x82: {  	[tilespmem:s4], [sflag:$0x1] =	stream.indirect_vreg.gather [hbm4b:s1+s3], $0x80, v12, vm0, $0xb8;
	[tilespmem:$0x10B00] =	vst v63  }
0x83: {  	_ = 	snop  }
0x84: {  	[tilespmem:s25], [sflag:$0x1] =	stream.indirect_vreg.gather [hbm4b:s5+s3], $0x80, v12, vm0, $0xb8;
	[tilespmem:$0x10B00] =	vst v63  }
0x85: {  	v12 =	vld [tilespmem:$0x390];
	_ =	sdelay $0x4  }
0x86: {  	v33 =	vshll.u32 v12, $0x2  }
0x87: {  	v12 =	vand.u32 $0x7, v12;
	v13 =	vand.u32 $0xFFFFFFE0, v33  }
0x88: {  	v12 =	vor.u32 v12, v13  }
0x89: {  	v13 =	vperm.xlane v12, v5;
	_ =	sdelay $0x1  }
0x8a: {  	v13 =	vadd.s32 v6, v13;
	_ =	sdelay $0x1  }
0x8b: {  	v12 =	vperm.xlane v12, v7;
	_ =	sdelay $0x1  }
0x8c: {  	v12 =	vadd.s32 v6, v12  }
0x8d: {  	[tilespmem:s26], [sflag:$0x1] =	stream.indirect_vreg.gather [hbm4b:s1+s3], $0x80, v13, vm0, $0xb8;
	[tilespmem:$0x10B00] =	vst v63  }
0x8e: {  	_ = 	snop  }
0x8f: {  	[tilespmem:s28], [sflag:$0x1] =	stream.indirect_vreg.gather [hbm4b:s5+s3], $0x80, v13, vm0, $0xb8;
	[tilespmem:$0x10B00] =	vst v63  }
0x90: {  	_ = 	snop  }
0x91: {  	[tilespmem:s29], [sflag:$0x1] =	stream.indirect_vreg.gather [hbm4b:s1+s3], $0x80, v12, vm0, $0xb8;
	[tilespmem:$0x10B00] =	vst v63  }
0x92: {  	_ = 	snop  }
0x93: {  	[tilespmem:s30], [sflag:$0x1] =	stream.indirect_vreg.gather [hbm4b:s5+s3], $0x80, v12, vm0, $0xb8;
	[tilespmem:$0x10B00] =	vst v63  }
0x94: {  	v12 =	vld [tilespmem:$0x3A0];
	_ =	sdelay $0x4  }
0x95: {  	v34 =	vshll.u32 v12, $0x2  }
0x96: {  	v12 =	vand.u32 $0x7, v12;
	v13 =	vand.u32 $0xFFFFFFE0, v34  }
0x97: {  	v12 =	vor.u32 v12, v13  }
0x98: {  	v13 =	vperm.xlane v12, v5;
	_ =	sdelay $0x1  }
0x99: {  	v13 =	vadd.s32 v6, v13;
	_ =	sdelay $0x1  }
0x9a: {  	v12 =	vperm.xlane v12, v7;
	_ =	sdelay $0x1  }
0x9b: {  	v12 =	vadd.s32 v6, v12  }
0x9c: {  	[tilespmem:s31], [sflag:$0x1] =	stream.indirect_vreg.gather [hbm4b:s1+s3], $0x80, v13, vm0, $0xb8;
	[tilespmem:$0x10B00] =	vst v63  }
0x9d: {  	_ = 	snop  }
0x9e: {  	[tilespmem:s9], [sflag:$0x1] =	stream.indirect_vreg.gather [hbm4b:s5+s3], $0x80, v13, vm0, $0xb8;
	[tilespmem:$0x10B00] =	vst v63  }
0x9f: {  	_ = 	snop  }
0xa0: {  	[tilespmem:s7], [sflag:$0x1] =	stream.indirect_vreg.gather [hbm4b:s1+s3], $0x80, v12, vm0, $0xb8;
	[tilespmem:$0x10B00] =	vst v63  }
0xa1: {  	_ = 	snop  }
0xa2: {  	[tilespmem:s10], [sflag:$0x1] =	stream.indirect_vreg.gather [hbm4b:s5+s3], $0x80, v12, vm0, $0xb8;
	[tilespmem:$0x10B00] =	vst v63  }
0xa3: {  	v12 =	vld [tilespmem:$0x3B0];
	_ =	sdelay $0x4  }
0xa4: {  	v35 =	vshll.u32 v12, $0x2  }
0xa5: {  	v12 =	vand.u32 $0x7, v12;
	v13 =	vand.u32 $0xFFFFFFE0, v35  }
0xa6: {  	v12 =	vor.u32 v12, v13  }
0xa7: {  	v13 =	vperm.xlane v12, v5;
	_ =	sdelay $0x1  }
0xa8: {  	v13 =	vadd.s32 v6, v13;
	_ =	sdelay $0x1  }
0xa9: {  	v12 =	vperm.xlane v12, v7;
	_ =	sdelay $0x1  }
0xaa: {  	v12 =	vadd.s32 v6, v12  }
0xab: {  	[tilespmem:s11], [sflag:$0x1] =	stream.indirect_vreg.gather [hbm4b:s1+s3], $0x80, v13, vm0, $0xb8;
	[tilespmem:$0x10B00] =	vst v63  }
0xac: {  	_ = 	snop  }
0xad: {  	[tilespmem:s12], [sflag:$0x1] =	stream.indirect_vreg.gather [hbm4b:s5+s3], $0x80, v13, vm0, $0xb8;
	[tilespmem:$0x10B00] =	vst v63  }
0xae: {  	_ = 	snop  }
0xaf: {  	[tilespmem:s13], [sflag:$0x1] =	stream.indirect_vreg.gather [hbm4b:s1+s3], $0x80, v12, vm0, $0xb8;
	[tilespmem:$0x10B00] =	vst v63  }
0xb0: {  	_ = 	snop  }
0xb1: {  	[tilespmem:s14], [sflag:$0x1] =	stream.indirect_vreg.gather [hbm4b:s5+s3], $0x80, v12, vm0, $0xb8;
	[tilespmem:$0x10B00] =	vst v63  }
0xb2: {  	_ =	swait.ge [sflag:s2], $0x8000  }
0xb3: {  	[sflag:s2] =	ssyncset.done $0x0  }
0xb4: {  	[sflag:s2] =	ssyncadd.s32 $0xFFFF8000  }
0xb5: {  	v36 =	vld [tilespmem:$0x180];
	_ =	sdelay $0x4  }
0xb6: {  	v37 =	vshll.u32 v36, $0x3  }
0xb7: {  	v38 =	vld [tilespmem:$0x190];
	v12 =	vand.u32 $0x7F, v36;
	v13 =	vand.u32 $0xFFFFFC00, v37  }
0xb8: {  	v12 =	vor.u32 v12, v13  }
0xb9: {  	v12 =	vadd.s32 v8, v12;
	_ =	sdelay $0x2  }
0xba: {  	v39 =	vshll.u32 v38, $0x3  }
0xbb: {  	v40 =	vld [tilespmem:$0x1A0];
	v14 =	vand.u32 $0x7F, v38;
	v13 =	vand.u32 $0xFFFFFC00, v39  }
0xbc: {  	v13 =	vor.u32 v14, v13;
	v12 =	vld.idx.msk [tilespmem:v12+s8+$0x0], $0xffff  }
0xbd: {  	v13 =	vadd.s32 v9, v13;
	_ =	sdelay $0x2  }
0xbe: {  	v41 =	vshll.u32 v40, $0x3  }
0xbf: {  	v43 =	vld [tilespmem:$0x1B0];
	v42 =	vand.u32 $0x7F, v40;
	v14 =	vand.u32 $0xFFFFFC00, v41;
	[tilespmem:$0x700] =	vst v12  }
0xc0: {  	v12 =	vor.u32 v42, v14;
	v13 =	vld.idx.msk [tilespmem:v13+s8+$0x0], $0xffff  }
0xc1: {  	v12 =	vadd.s32 v10, v12;
	_ =	sdelay $0x1  }
0xc2: {  	v44 =	vld [tilespmem:$0x400]  }
0xc3: {  	v45 =	vshll.u32 v43, $0x3  }
0xc4: {  	v46 =	vand.u32 $0x7F, v43;
	v47 =	vand.u32 $0xFFFFFC00, v45;
	[tilespmem:$0x710] =	vst v13  }
0xc5: {  	v13 =	vor.u32 v46, v47;
	v12 =	vld.idx.msk [tilespmem:v12+s8+$0x0], $0xffff  }
0xc6: {  	v13 =	vadd.s32 v11, v13  }
0xc7: {  	v48 =	vshll.u32 v44, $0x2  }
0xc8: {  	v15 =	vand.u32 $0xFFFFFFE0, v48;
	v14 =	vand.u32 $0x7, v44  }
0xc9: {  	v14 =	vor.u32 v14, v15  }
0xca: {  	v49 =	vperm.xlane v14, v5;
	[tilespmem:$0x720] =	vst v12  }
0xcb: {  	v13 =	vld.idx.msk [tilespmem:v13+s8+$0x0], $0xffff  }
0xcc: {  	v12 =	vadd.s32 v6, v49;
	_ =	sdelay $0x1  }
0xcd: {  	v14 =	vperm.xlane v14, v7;
	_ =	sdelay $0x1  }
0xce: {  	v50 =	vadd.s32 v6, v14;
	[tilespmem:$0x730] =	vst v13  }
0xcf: {  	[tilespmem:s8], [sflag:$0x1] =	stream.indirect_vreg.gather [hbm4b:s1+s3], $0x80, v12, vm0, $0xb8;
	[tilespmem:$0x10B00] =	vst v63  }
0xd0: {  	s17 =	simm.s32 $0x1300  }
0xd1: {  	[tilespmem:s17], [sflag:$0x1] =	stream.indirect_vreg.gather [hbm4b:s5+s3], $0x80, v12, vm0, $0xb8;
	[tilespmem:$0x10B00] =	vst v63  }
0xd2: {  	s17 =	simm.s32 $0x1B00  }
0xd3: {  	[tilespmem:s17], [sflag:$0x1] =	stream.indirect_vreg.gather [hbm4b:s1+s3], $0x80, v50, vm0, $0xb8;
	[tilespmem:$0x10B00] =	vst v63  }
0xd4: {  	s16 =	simm.s32 $0x2300  }
0xd5: {  	[tilespmem:s16], [sflag:$0x1] =	stream.indirect_vreg.gather [hbm4b:s5+s3], $0x80, v50, vm0, $0xb8;
	[tilespmem:$0x10B00] =	vst v63  }
0xd6: {  	v12 =	vld [tilespmem:$0x410];
	_ =	sdelay $0x4  }
0xd7: {  	v51 =	vshll.u32 v12, $0x2  }
0xd8: {  	v12 =	vand.u32 $0x7, v12;
	v13 =	vand.u32 $0xFFFFFFE0, v51  }
0xd9: {  	v12 =	vor.u32 v12, v13  }
0xda: {  	v13 =	vperm.xlane v12, v5;
	_ =	sdelay $0x1  }
0xdb: {  	v13 =	vadd.s32 v6, v13;
	_ =	sdelay $0x1  }
0xdc: {  	v12 =	vperm.xlane v12, v7;
	_ =	sdelay $0x1  }
0xdd: {  	s17 =	simm.s32 $0x2B00;
	v12 =	vadd.s32 v6, v12  }
0xde: {  	[tilespmem:s17], [sflag:$0x1] =	stream.indirect_vreg.gather [hbm4b:s1+s3], $0x80, v13, vm0, $0xb8;
	[tilespmem:$0x10B00] =	vst v63  }
0xdf: {  	s16 =	simm.s32 $0x3300  }
0xe0: {  	[tilespmem:s16], [sflag:$0x1] =	stream.indirect_vreg.gather [hbm4b:s5+s3], $0x80, v13, vm0, $0xb8;
	[tilespmem:$0x10B00] =	vst v63  }
0xe1: {  	s16 =	simm.s32 $0x3B00  }
0xe2: {  	[tilespmem:s16], [sflag:$0x1] =	stream.indirect_vreg.gather [hbm4b:s1+s3], $0x80, v12, vm0, $0xb8;
	[tilespmem:$0x10B00] =	vst v63  }
0xe3: {  	s19 =	simm.s32 $0x4300  }
0xe4: {  	[tilespmem:s19], [sflag:$0x1] =	stream.indirect_vreg.gather [hbm4b:s5+s3], $0x80, v12, vm0, $0xb8;
	[tilespmem:$0x10B00] =	vst v63  }
0xe5: {  	v12 =	vld [tilespmem:$0x420];
	_ =	sdelay $0x4  }
0xe6: {  	v52 =	vshll.u32 v12, $0x2  }
0xe7: {  	v12 =	vand.u32 $0x7, v12;
	v13 =	vand.u32 $0xFFFFFFE0, v52  }
0xe8: {  	v12 =	vor.u32 v12, v13  }
0xe9: {  	v13 =	vperm.xlane v12, v5;
	_ =	sdelay $0x1  }
0xea: {  	v13 =	vadd.s32 v6, v13;
	_ =	sdelay $0x1  }
0xeb: {  	v12 =	vperm.xlane v12, v7;
	_ =	sdelay $0x1  }
0xec: {  	s21 =	simm.s32 $0x4B00;
	v12 =	vadd.s32 v6, v12  }
0xed: {  	[tilespmem:s21], [sflag:$0x1] =	stream.indirect_vreg.gather [hbm4b:s1+s3], $0x80, v13, vm0, $0xb8;
	[tilespmem:$0x10B00] =	vst v63  }
0xee: {  	s22 =	simm.s32 $0x5300  }
0xef: {  	[tilespmem:s22], [sflag:$0x1] =	stream.indirect_vreg.gather [hbm4b:s5+s3], $0x80, v13, vm0, $0xb8;
	[tilespmem:$0x10B00] =	vst v63  }
0xf0: {  	s23 =	simm.s32 $0x5B00  }
0xf1: {  	[tilespmem:s23], [sflag:$0x1] =	stream.indirect_vreg.gather [hbm4b:s1+s3], $0x80, v12, vm0, $0xb8;
	[tilespmem:$0x10B00] =	vst v63  }
0xf2: {  	s20 =	simm.s32 $0x6300  }
0xf3: {  	[tilespmem:s20], [sflag:$0x1] =	stream.indirect_vreg.gather [hbm4b:s5+s3], $0x80, v12, vm0, $0xb8;
	[tilespmem:$0x10B00] =	vst v63  }
0xf4: {  	v12 =	vld [tilespmem:$0x430];
	_ =	sdelay $0x4  }
0xf5: {  	v53 =	vshll.u32 v12, $0x2  }
0xf6: {  	v12 =	vand.u32 $0x7, v12;
	v13 =	vand.u32 $0xFFFFFFE0, v53  }
0xf7: {  	v12 =	vor.u32 v12, v13  }
0xf8: {  	v13 =	vperm.xlane v12, v5;
	_ =	sdelay $0x1  }
0xf9: {  	v13 =	vadd.s32 v6, v13;
	_ =	sdelay $0x1  }
0xfa: {  	v12 =	vperm.xlane v12, v7;
	_ =	sdelay $0x1  }
0xfb: {  	s16 =	simm.s32 $0x6B00;
	v12 =	vadd.s32 v6, v12  }
0xfc: {  	[tilespmem:s16], [sflag:$0x1] =	stream.indirect_vreg.gather [hbm4b:s1+s3], $0x80, v13, vm0, $0xb8;
	[tilespmem:$0x10B00] =	vst v63  }
0xfd: {  	s20 =	simm.s32 $0x7300  }
0xfe: {  	[tilespmem:s20], [sflag:$0x1] =	stream.indirect_vreg.gather [hbm4b:s5+s3], $0x80, v13, vm0, $0xb8;
	[tilespmem:$0x10B00] =	vst v63  }
0xff: {  	s16 =	simm.s32 $0x7B00  }
0x100: {  	[tilespmem:s16], [sflag:$0x1] =	stream.indirect_vreg.gather [hbm4b:s1+s3], $0x80, v12, vm0, $0xb8;
	[tilespmem:$0x10B00] =	vst v63  }
0x101: {  	s18 =	simm.s32 $0x8300  }
0x102: {  	[tilespmem:s18], [sflag:$0x1] =	stream.indirect_vreg.gather [hbm4b:s5+s3], $0x80, v12, vm0, $0xb8;
	[tilespmem:$0x10B00] =	vst v63  }
0x103: {  	_ =	swait.ge [sflag:s2], $0x8000  }
0x104: {  	[sflag:s2] =	ssyncset.done $0x0  }
0x105: {  	[sflag:s2] =	ssyncadd.s32 $0xFFFF8000  }
0x106: {  	v54 =	vld [tilespmem:$0x1C0];
	_ =	sdelay $0x4  }
0x107: {  	v55 =	vshll.u32 v54, $0x3  }
0x108: {  	v56 =	vld [tilespmem:$0x1D0];
	v12 =	vand.u32 $0x7F, v54;
	v13 =	vand.u32 $0xFFFFFC00, v55  }
0x109: {  	v12 =	vor.u32 v12, v13  }
0x10a: {  	v12 =	vadd.s32 v8, v12;
	_ =	sdelay $0x2  }
0x10b: {  	v57 =	vshll.u32 v56, $0x3  }
0x10c: {  	v58 =	vld [tilespmem:$0x1E0];
	v14 =	vand.u32 $0x7F, v56;
	v13 =	vand.u32 $0xFFFFFC00, v57  }
0x10d: {  	v13 =	vor.u32 v14, v13;
	v12 =	vld.idx.msk [tilespmem:v12+s24+$0x0], $0xffff  }
0x10e: {  	v13 =	vadd.s32 v9, v13;
	_ =	sdelay $0x2  }
0x10f: {  	v59 =	vshll.u32 v58, $0x3  }
0x110: {  	v61 =	vld [tilespmem:$0x1F0];
	v60 =	vand.u32 $0x7F, v58;
	v14 =	vand.u32 $0xFFFFFC00, v59;
	[tilespmem:$0x780] =	vst v12  }
0x111: {  	v12 =	vor.u32 v60, v14;
	v13 =	vld.idx.msk [tilespmem:v13+s24+$0x0], $0xffff  }
0x112: {  	v12 =	vadd.s32 v10, v12;
	_ =	sdelay $0x1  }
0x113: {  	v62 =	vld [tilespmem:$0x480]  }
0x114: {  	v63 =	vshll.u32 v61, $0x3  }
0x115: {  	v18 =	vand.u32 $0x7F, v61;
	v19 =	vand.u32 $0xFFFFFC00, v63;
	[tilespmem:$0x790] =	vst v13  }
0x116: {  	v13 =	vor.u32 v18, v19;
	v12 =	vld.idx.msk [tilespmem:v12+s24+$0x0], $0xffff  }
0x117: {  	v13 =	vadd.s32 v11, v13  }
0x118: {  	v20 =	vshll.u32 v62, $0x2  }
0x119: {  	v15 =	vand.u32 $0xFFFFFFE0, v20;
	v14 =	vand.u32 $0x7, v62  }
0x11a: {  	v14 =	vor.u32 v14, v15  }
0x11b: {  	v21 =	vperm.xlane v14, v5;
	[tilespmem:$0x7A0] =	vst v12  }
0x11c: {  	v13 =	vld.idx.msk [tilespmem:v13+s24+$0x0], $0xffff  }
0x11d: {  	v12 =	vadd.s32 v6, v21;
	_ =	sdelay $0x1  }
0x11e: {  	v14 =	vperm.xlane v14, v7;
	_ =	sdelay $0x1  }
0x11f: {  	v22 =	vadd.s32 v6, v14;
	[tilespmem:$0x7B0] =	vst v13  }
0x120: {  	[tilespmem:s24], [sflag:$0x1] =	stream.indirect_vreg.gather [hbm4b:s1+s3], $0x80, v12, vm0, $0xb8;
	[tilespmem:$0x10B00] =	vst v63  }
0x121: {  	_ = 	snop  }
0x122: {  	[tilespmem:s0], [sflag:$0x1] =	stream.indirect_vreg.gather [hbm4b:s5+s3], $0x80, v12, vm0, $0xb8;
	[tilespmem:$0x10B00] =	vst v63  }
0x123: {  	_ = 	snop  }
0x124: {  	[tilespmem:s4], [sflag:$0x1] =	stream.indirect_vreg.gather [hbm4b:s1+s3], $0x80, v22, vm0, $0xb8;
	[tilespmem:$0x10B00] =	vst v63  }
0x125: {  	_ = 	snop  }
0x126: {  	[tilespmem:s25], [sflag:$0x1] =	stream.indirect_vreg.gather [hbm4b:s5+s3], $0x80, v22, vm0, $0xb8;
	[tilespmem:$0x10B00] =	vst v63  }
0x127: {  	v12 =	vld [tilespmem:$0x490];
	_ =	sdelay $0x4  }
0x128: {  	v23 =	vshll.u32 v12, $0x2  }
0x129: {  	v12 =	vand.u32 $0x7, v12;
	v13 =	vand.u32 $0xFFFFFFE0, v23  }
0x12a: {  	v12 =	vor.u32 v12, v13  }
0x12b: {  	v13 =	vperm.xlane v12, v5;
	_ =	sdelay $0x1  }
0x12c: {  	v13 =	vadd.s32 v6, v13;
	_ =	sdelay $0x1  }
0x12d: {  	v12 =	vperm.xlane v12, v7;
	_ =	sdelay $0x1  }
0x12e: {  	v12 =	vadd.s32 v6, v12  }
0x12f: {  	[tilespmem:s26], [sflag:$0x1] =	stream.indirect_vreg.gather [hbm4b:s1+s3], $0x80, v13, vm0, $0xb8;
	[tilespmem:$0x10B00] =	vst v63  }
0x130: {  	_ = 	snop  }
0x131: {  	[tilespmem:s28], [sflag:$0x1] =	stream.indirect_vreg.gather [hbm4b:s5+s3], $0x80, v13, vm0, $0xb8;
	[tilespmem:$0x10B00] =	vst v63  }
0x132: {  	_ = 	snop  }
0x133: {  	[tilespmem:s29], [sflag:$0x1] =	stream.indirect_vreg.gather [hbm4b:s1+s3], $0x80, v12, vm0, $0xb8;
	[tilespmem:$0x10B00] =	vst v63  }
0x134: {  	_ = 	snop  }
0x135: {  	[tilespmem:s30], [sflag:$0x1] =	stream.indirect_vreg.gather [hbm4b:s5+s3], $0x80, v12, vm0, $0xb8;
	[tilespmem:$0x10B00] =	vst v63  }
0x136: {  	v12 =	vld [tilespmem:$0x4A0];
	_ =	sdelay $0x4  }
0x137: {  	v24 =	vshll.u32 v12, $0x2  }
0x138: {  	v12 =	vand.u32 $0x7, v12;
	v13 =	vand.u32 $0xFFFFFFE0, v24  }
0x139: {  	v12 =	vor.u32 v12, v13  }
0x13a: {  	v13 =	vperm.xlane v12, v5;
	_ =	sdelay $0x1  }
0x13b: {  	v13 =	vadd.s32 v6, v13;
	_ =	sdelay $0x1  }
0x13c: {  	v12 =	vperm.xlane v12, v7;
	_ =	sdelay $0x1  }
0x13d: {  	v12 =	vadd.s32 v6, v12  }
0x13e: {  	[tilespmem:s31], [sflag:$0x1] =	stream.indirect_vreg.gather [hbm4b:s1+s3], $0x80, v13, vm0, $0xb8;
	[tilespmem:$0x10B00] =	vst v63  }
0x13f: {  	_ = 	snop  }
0x140: {  	[tilespmem:s9], [sflag:$0x1] =	stream.indirect_vreg.gather [hbm4b:s5+s3], $0x80, v13, vm0, $0xb8;
	[tilespmem:$0x10B00] =	vst v63  }
0x141: {  	_ = 	snop  }
0x142: {  	[tilespmem:s7], [sflag:$0x1] =	stream.indirect_vreg.gather [hbm4b:s1+s3], $0x80, v12, vm0, $0xb8;
	[tilespmem:$0x10B00] =	vst v63  }
0x143: {  	_ = 	snop  }
0x144: {  	[tilespmem:s10], [sflag:$0x1] =	stream.indirect_vreg.gather [hbm4b:s5+s3], $0x80, v12, vm0, $0xb8;
	[tilespmem:$0x10B00] =	vst v63  }
0x145: {  	v12 =	vld [tilespmem:$0x4B0];
	_ =	sdelay $0x4  }
0x146: {  	v25 =	vshll.u32 v12, $0x2  }
0x147: {  	v12 =	vand.u32 $0x7, v12;
	v13 =	vand.u32 $0xFFFFFFE0, v25  }
0x148: {  	v12 =	vor.u32 v12, v13  }
0x149: {  	v13 =	vperm.xlane v12, v5;
	_ =	sdelay $0x1  }
0x14a: {  	v13 =	vadd.s32 v6, v13;
	_ =	sdelay $0x1  }
0x14b: {  	v12 =	vperm.xlane v12, v7;
	_ =	sdelay $0x1  }
0x14c: {  	v12 =	vadd.s32 v6, v12  }
0x14d: {  	[tilespmem:s11], [sflag:$0x1] =	stream.indirect_vreg.gather [hbm4b:s1+s3], $0x80, v13, vm0, $0xb8;
	[tilespmem:$0x10B00] =	vst v63  }
0x14e: {  	_ = 	snop  }
0x14f: {  	[tilespmem:s12], [sflag:$0x1] =	stream.indirect_vreg.gather [hbm4b:s5+s3], $0x80, v13, vm0, $0xb8;
	[tilespmem:$0x10B00] =	vst v63  }
0x150: {  	_ = 	snop  }
0x151: {  	[tilespmem:s13], [sflag:$0x1] =	stream.indirect_vreg.gather [hbm4b:s1+s3], $0x80, v12, vm0, $0xb8;
	[tilespmem:$0x10B00] =	vst v63  }
0x152: {  	_ = 	snop  }
0x153: {  	[tilespmem:s14], [sflag:$0x1] =	stream.indirect_vreg.gather [hbm4b:s5+s3], $0x80, v12, vm0, $0xb8;
	[tilespmem:$0x10B00] =	vst v63  }
0x154: {  	_ =	swait.ge [sflag:s2], $0x8000  }
0x155: {  	[sflag:s2] =	ssyncset.done $0x0  }
0x156: {  	[sflag:s2] =	ssyncadd.s32 $0xFFFF8000  }
0x157: {  	v26 =	vld [tilespmem:$0x200];
	_ =	sdelay $0x4  }
0x158: {  	v27 =	vshll.u32 v26, $0x3  }
0x159: {  	v28 =	vld [tilespmem:$0x210];
	v12 =	vand.u32 $0x7F, v26;
	v13 =	vand.u32 $0xFFFFFC00, v27  }
0x15a: {  	v12 =	vor.u32 v12, v13  }
0x15b: {  	v12 =	vadd.s32 v8, v12;
	_ =	sdelay $0x2  }
0x15c: {  	v29 =	vshll.u32 v28, $0x3  }
0x15d: {  	v30 =	vld [tilespmem:$0x220];
	v14 =	vand.u32 $0x7F, v28;
	v13 =	vand.u32 $0xFFFFFC00, v29  }
0x15e: {  	v13 =	vor.u32 v14, v13;
	v12 =	vld.idx.msk [tilespmem:v12+s8+$0x0], $0xffff  }
0x15f: {  	v13 =	vadd.s32 v9, v13;
	_ =	sdelay $0x2  }
0x160: {  	v31 =	vshll.u32 v30, $0x3  }
0x161: {  	v33 =	vld [tilespmem:$0x230];
	v32 =	vand.u32 $0x7F, v30;
	v14 =	vand.u32 $0xFFFFFC00, v31;
	[tilespmem:$0x800] =	vst v12  }
0x162: {  	v12 =	vor.u32 v32, v14;
	v13 =	vld.idx.msk [tilespmem:v13+s8+$0x0], $0xffff  }
0x163: {  	v12 =	vadd.s32 v10, v12;
	_ =	sdelay $0x1  }
0x164: {  	v34 =	vld [tilespmem:$0x500]  }
0x165: {  	v35 =	vshll.u32 v33, $0x3  }
0x166: {  	v36 =	vand.u32 $0x7F, v33;
	v37 =	vand.u32 $0xFFFFFC00, v35;
	[tilespmem:$0x810] =	vst v13  }
0x167: {  	v13 =	vor.u32 v36, v37;
	v12 =	vld.idx.msk [tilespmem:v12+s8+$0x0], $0xffff  }
0x168: {  	v13 =	vadd.s32 v11, v13  }
0x169: {  	v38 =	vshll.u32 v34, $0x2  }
0x16a: {  	v15 =	vand.u32 $0xFFFFFFE0, v38;
	v14 =	vand.u32 $0x7, v34  }
0x16b: {  	v14 =	vor.u32 v14, v15  }
0x16c: {  	v39 =	vperm.xlane v14, v5;
	[tilespmem:$0x820] =	vst v12  }
0x16d: {  	v13 =	vld.idx.msk [tilespmem:v13+s8+$0x0], $0xffff  }
0x16e: {  	v12 =	vadd.s32 v6, v39;
	_ =	sdelay $0x1  }
0x16f: {  	v14 =	vperm.xlane v14, v7;
	_ =	sdelay $0x1  }
0x170: {  	v40 =	vadd.s32 v6, v14;
	[tilespmem:$0x830] =	vst v13  }
0x171: {  	[tilespmem:s8], [sflag:$0x1] =	stream.indirect_vreg.gather [hbm4b:s1+s3], $0x80, v12, vm0, $0xb8;
	[tilespmem:$0x10B00] =	vst v63  }
0x172: {  	s4 =	simm.s32 $0x1300  }
0x173: {  	[tilespmem:s4], [sflag:$0x1] =	stream.indirect_vreg.gather [hbm4b:s5+s3], $0x80, v12, vm0, $0xb8;
	[tilespmem:$0x10B00] =	vst v63  }
0x174: {  	s4 =	simm.s32 $0x1B00  }
0x175: {  	[tilespmem:s4], [sflag:$0x1] =	stream.indirect_vreg.gather [hbm4b:s1+s3], $0x80, v40, vm0, $0xb8;
	[tilespmem:$0x10B00] =	vst v63  }
0x176: {  	s4 =	simm.s32 $0x2300  }
0x177: {  	[tilespmem:s4], [sflag:$0x1] =	stream.indirect_vreg.gather [hbm4b:s5+s3], $0x80, v40, vm0, $0xb8;
	[tilespmem:$0x10B00] =	vst v63  }
0x178: {  	v12 =	vld [tilespmem:$0x510];
	_ =	sdelay $0x4  }
0x179: {  	v41 =	vshll.u32 v12, $0x2  }
0x17a: {  	v12 =	vand.u32 $0x7, v12;
	v13 =	vand.u32 $0xFFFFFFE0, v41  }
0x17b: {  	v12 =	vor.u32 v12, v13  }
0x17c: {  	v13 =	vperm.xlane v12, v5;
	_ =	sdelay $0x1  }
0x17d: {  	v13 =	vadd.s32 v6, v13;
	_ =	sdelay $0x1  }
0x17e: {  	v12 =	vperm.xlane v12, v7;
	_ =	sdelay $0x1  }
0x17f: {  	s17 =	simm.s32 $0x2B00;
	v12 =	vadd.s32 v6, v12  }
0x180: {  	[tilespmem:s17], [sflag:$0x1] =	stream.indirect_vreg.gather [hbm4b:s1+s3], $0x80, v13, vm0, $0xb8;
	[tilespmem:$0x10B00] =	vst v63  }
0x181: {  	s4 =	simm.s32 $0x3300  }
0x182: {  	[tilespmem:s4], [sflag:$0x1] =	stream.indirect_vreg.gather [hbm4b:s5+s3], $0x80, v13, vm0, $0xb8;
	[tilespmem:$0x10B00] =	vst v63  }
0x183: {  	s17 =	simm.s32 $0x3B00  }
0x184: {  	[tilespmem:s17], [sflag:$0x1] =	stream.indirect_vreg.gather [hbm4b:s1+s3], $0x80, v12, vm0, $0xb8;
	[tilespmem:$0x10B00] =	vst v63  }
0x185: {  	s4 =	simm.s32 $0x4300  }
0x186: {  	[tilespmem:s4], [sflag:$0x1] =	stream.indirect_vreg.gather [hbm4b:s5+s3], $0x80, v12, vm0, $0xb8;
	[tilespmem:$0x10B00] =	vst v63  }
0x187: {  	v12 =	vld [tilespmem:$0x520];
	_ =	sdelay $0x4  }
0x188: {  	v42 =	vshll.u32 v12, $0x2  }
0x189: {  	v12 =	vand.u32 $0x7, v12;
	v13 =	vand.u32 $0xFFFFFFE0, v42  }
0x18a: {  	v12 =	vor.u32 v12, v13  }
0x18b: {  	v13 =	vperm.xlane v12, v5;
	_ =	sdelay $0x1  }
0x18c: {  	v13 =	vadd.s32 v6, v13;
	_ =	sdelay $0x1  }
0x18d: {  	v12 =	vperm.xlane v12, v7;
	_ =	sdelay $0x1  }
0x18e: {  	s17 =	simm.s32 $0x4B00;
	v12 =	vadd.s32 v6, v12  }
0x18f: {  	[tilespmem:s17], [sflag:$0x1] =	stream.indirect_vreg.gather [hbm4b:s1+s3], $0x80, v13, vm0, $0xb8;
	[tilespmem:$0x10B00] =	vst v63  }
0x190: {  	s21 =	simm.s32 $0x5300  }
0x191: {  	[tilespmem:s21], [sflag:$0x1] =	stream.indirect_vreg.gather [hbm4b:s5+s3], $0x80, v13, vm0, $0xb8;
	[tilespmem:$0x10B00] =	vst v63  }
0x192: {  	s22 =	simm.s32 $0x5B00  }
0x193: {  	[tilespmem:s22], [sflag:$0x1] =	stream.indirect_vreg.gather [hbm4b:s1+s3], $0x80, v12, vm0, $0xb8;
	[tilespmem:$0x10B00] =	vst v63  }
0x194: {  	s19 =	simm.s32 $0x6300  }
0x195: {  	[tilespmem:s19], [sflag:$0x1] =	stream.indirect_vreg.gather [hbm4b:s5+s3], $0x80, v12, vm0, $0xb8;
	[tilespmem:$0x10B00] =	vst v63  }
0x196: {  	v12 =	vld [tilespmem:$0x530];
	_ =	sdelay $0x4  }
0x197: {  	v43 =	vshll.u32 v12, $0x2  }
0x198: {  	v12 =	vand.u32 $0x7, v12;
	v13 =	vand.u32 $0xFFFFFFE0, v43  }
0x199: {  	v12 =	vor.u32 v12, v13  }
0x19a: {  	v13 =	vperm.xlane v12, v5;
	_ =	sdelay $0x1  }
0x19b: {  	v13 =	vadd.s32 v6, v13;
	_ =	sdelay $0x1  }
0x19c: {  	v12 =	vperm.xlane v12, v7;
	_ =	sdelay $0x1  }
0x19d: {  	s23 =	simm.s32 $0x6B00;
	v12 =	vadd.s32 v6, v12  }
0x19e: {  	[tilespmem:s23], [sflag:$0x1] =	stream.indirect_vreg.gather [hbm4b:s1+s3], $0x80, v13, vm0, $0xb8;
	[tilespmem:$0x10B00] =	vst v63  }
0x19f: {  	s20 =	simm.s32 $0x7300  }
0x1a0: {  	[tilespmem:s20], [sflag:$0x1] =	stream.indirect_vreg.gather [hbm4b:s5+s3], $0x80, v13, vm0, $0xb8;
	[tilespmem:$0x10B00] =	vst v63  }
0x1a1: {  	_ = 	snop  }
0x1a2: {  	[tilespmem:s16], [sflag:$0x1] =	stream.indirect_vreg.gather [hbm4b:s1+s3], $0x80, v12, vm0, $0xb8;
	[tilespmem:$0x10B00] =	vst v63  }
0x1a3: {  	s18 =	simm.s32 $0x8300  }
0x1a4: {  	[tilespmem:s18], [sflag:$0x1] =	stream.indirect_vreg.gather [hbm4b:s5+s3], $0x80, v12, vm0, $0xb8;
	[tilespmem:$0x10B00] =	vst v63  }
0x1a5: {  	_ =	swait.ge [sflag:s2], $0x8000  }
0x1a6: {  	[sflag:s2] =	ssyncset.done $0x0  }
0x1a7: {  	[sflag:s2] =	ssyncadd.s32 $0xFFFF8000  }
0x1a8: {  	v44 =	vld [tilespmem:$0x240];
	_ =	sdelay $0x4  }
0x1a9: {  	v45 =	vshll.u32 v44, $0x3  }
0x1aa: {  	v46 =	vld [tilespmem:$0x250];
	v12 =	vand.u32 $0x7F, v44;
	v13 =	vand.u32 $0xFFFFFC00, v45  }
0x1ab: {  	v12 =	vor.u32 v12, v13  }
0x1ac: {  	v12 =	vadd.s32 v8, v12;
	_ =	sdelay $0x2  }
0x1ad: {  	v47 =	vshll.u32 v46, $0x3  }
0x1ae: {  	v48 =	vld [tilespmem:$0x260];
	v14 =	vand.u32 $0x7F, v46;
	v13 =	vand.u32 $0xFFFFFC00, v47  }
0x1af: {  	v13 =	vor.u32 v14, v13;
	v12 =	vld.idx.msk [tilespmem:v12+s24+$0x0], $0xffff  }
0x1b0: {  	v13 =	vadd.s32 v9, v13;
	_ =	sdelay $0x2  }
0x1b1: {  	v49 =	vshll.u32 v48, $0x3  }
0x1b2: {  	v51 =	vld [tilespmem:$0x270];
	v50 =	vand.u32 $0x7F, v48;
	v14 =	vand.u32 $0xFFFFFC00, v49;
	[tilespmem:$0x880] =	vst v12  }
0x1b3: {  	v12 =	vor.u32 v50, v14;
	v13 =	vld.idx.msk [tilespmem:v13+s24+$0x0], $0xffff  }
0x1b4: {  	v12 =	vadd.s32 v10, v12;
	_ =	sdelay $0x2  }
0x1b5: {  	v52 =	vshll.u32 v51, $0x3  }
0x1b6: {  	v53 =	vand.u32 $0x7F, v51;
	v14 =	vand.u32 $0xFFFFFC00, v52;
	[tilespmem:$0x890] =	vst v13  }
0x1b7: {  	v13 =	vor.u32 v53, v14;
	v12 =	vld.idx.msk [tilespmem:v12+s24+$0x0], $0xffff  }
0x1b8: {  	v13 =	vadd.s32 v11, v13;
	_ =	sdelay $0x3  }
0x1b9: {  	[tilespmem:$0x8A0] =	vst v12  }
0x1ba: {  	v12 =	vld.idx.msk [tilespmem:v13+s24+$0x0], $0xffff;
	_ =	sdelay $0x4  }
0x1bb: {  	[tilespmem:$0x8B0] =	vst v12  }
0x1bc: {  	_ =	swait.ge [sflag:s2], $0x8000  }
0x1bd: {  	[sflag:s2] =	ssyncset.done $0x0  }
0x1be: {  	[sflag:s2] =	ssyncadd.s32 $0xFFFF8000  }
0x1bf: {  	v54 =	vld [tilespmem:$0x280];
	_ =	sdelay $0x4  }
0x1c0: {  	v55 =	vshll.u32 v54, $0x3  }
0x1c1: {  	v56 =	vld [tilespmem:$0x290];
	v12 =	vand.u32 $0x7F, v54;
	v13 =	vand.u32 $0xFFFFFC00, v55  }
0x1c2: {  	v12 =	vor.u32 v12, v13  }
0x1c3: {  	v12 =	vadd.s32 v8, v12;
	_ =	sdelay $0x2  }
0x1c4: {  	v57 =	vshll.u32 v56, $0x3  }
0x1c5: {  	v58 =	vld [tilespmem:$0x2A0];
	v14 =	vand.u32 $0x7F, v56;
	v13 =	vand.u32 $0xFFFFFC00, v57  }
0x1c6: {  	v13 =	vor.u32 v14, v13;
	v12 =	vld.idx.msk [tilespmem:v12+s8+$0x0], $0xffff  }
0x1c7: {  	v13 =	vadd.s32 v9, v13;
	_ =	sdelay $0x2  }
0x1c8: {  	v59 =	vshll.u32 v58, $0x3  }
0x1c9: {  	v61 =	vld [tilespmem:$0x2B0];
	v60 =	vand.u32 $0x7F, v58;
	v14 =	vand.u32 $0xFFFFFC00, v59;
	[tilespmem:$0x900] =	vst v12  }
0x1ca: {  	v12 =	vor.u32 v60, v14;
	v13 =	vld.idx.msk [tilespmem:v13+s8+$0x0], $0xffff  }
0x1cb: {  	v12 =	vadd.s32 v10, v12;
	_ =	sdelay $0x2  }
0x1cc: {  	v62 =	vshll.u32 v61, $0x3  }
0x1cd: {  	v63 =	vand.u32 $0x7F, v61;
	v14 =	vand.u32 $0xFFFFFC00, v62;
	[tilespmem:$0x910] =	vst v13  }
0x1ce: {  	v13 =	vor.u32 v63, v14;
	v12 =	vld.idx.msk [tilespmem:v12+s8+$0x0], $0xffff  }
0x1cf: {  	v13 =	vadd.s32 v11, v13;
	_ =	sdelay $0x3  }
0x1d0: {  	[tilespmem:$0x920] =	vst v12  }
0x1d1: {  	v12 =	vld.idx.msk [tilespmem:v13+s8+$0x0], $0xffff;
	_ =	sdelay $0x3  }
0x1d2: {  	p0 =	sne.s32 s6, $0x1;
	s22 =	rddreg [dreg:$0x4]  }
.Ltmp0:
0x1d3: {  	s23 =	rddreg [dreg:$0x6];
	[tilespmem:$0x930] =	vst v12;
	(pc) =	sbr.rel @p0 .LBB2_1-.Ltmp0, $4  }
0x1d4: {  	[hbm4b:s22+s3] =	stream.linear.scatter [tilespmem:s23], [sflag:$0x2], $0x280, $0x38;
	[tilespmem:$0x10B00] =	vst v63  }
0x1d5: {  	_ =	swait.ge [sflag:s15], $0x280  }
0x1d6: {  	[sflag:s15] =	ssyncset.done $0x0  }
0x1d7: {  	s6 =	sadd.s32 $0xFFFFFFFF, s6;
	[sflag:s15] =	ssyncadd.s32 $0xFFFFFD80  }
0x1d8: {  	_ =	sfence.sel $0x180000  }
0x1d9: {  	[bflag:$0x0] =	sbarrier.arrive $0xFFFF  }
0x1da: {  	_ =	strace $0x90000047  }
0x1db: {  	s0 =	stileid.u32;
	[bflag:$0x2] =	sbarrier.arrive $0xFFFF  }
0x1dc: {  	p0 =	sne.s32 s0, $0x0;
	s0 =	rddreg [dreg:$0x2]  }
0x1dd: {  	s0 =	sadd.s32 @!p0 $0x100000, s0  }
0x1de: {  	[sflag:s0] =	ssyncadd.tile.s32 @!p0 $0x1;
	_ =	shalt  }
.Lfunc_end2:
_tile_overlayer_lowered:
.L_overlay_start_2:
0x1df: {  	(tag) =	ssettag $0x2  }
0x1e0: {  	s0 =	rddreg [dreg:$0x0];
	s2 =	stileid.u32  }
0x1e1: {  	s1 =	rddreg [dreg:$0x1];
	p0 =	sne.s32 s2, $0x0  }
0x1e2: {  	s3 =	rddreg [dreg:$0x2];
	[bflag:$0x3] =	sbarrier.arrive $0xFFFF;
	s2 =	simm.s32 @!p0 $0x1C02  }
0x1e3: {  	[timem:s3], [sflag:s2] =	dma.local @!p0 [hbm:s0], s1  }
0x1e4: {  	s0 =	simm.s32 @!p0 $0x2  }
0x1e5: {  	_ =	swait.ge @!p0 [sflag:s0], s1  }
0x1e6: {  	s1 =	ssub.s32 @!p0 $0x0, s1;
	[sflag:s0] =	ssyncset.done @!p0 $0x0  }
0x1e7: {  	[sflag:s0] =	ssyncadd.s32 @!p0 s1  }
0x1e8: {  	[bflag:$0x3] =	sbarrier.arrive $0xFFFF  }
0x1e9: {  	_ =	shalt  }

</sc_bundles>
